<compile_context>
chip_gen: v7x
topology: tpu7x:2x2x1
jax: 0.10.2.dev20260603
libtpu: 0.0.44.dev20260713+nightly
codegen_flags: <defaults>
</compile_context>

<pallas_src>
import functools

import jax
import jax.numpy as jnp
from jax import lax
from jax.experimental import pallas as pl
from jax.experimental.pallas import tpu as pltpu
from jax.experimental.pallas import tpu_sc as plsc

_DIM = 64
_BATCH = 16384
_NEG_K = 10
_NCAT = 256
_BLK = 2048
_CHUNK = 128
_VCHUNK = 12544
_VPAD = 8 * _VCHUNK


def _tr_body(in1_ref, in2_ref, out_ref):
    out_ref[:, :_DIM] = jnp.swapaxes(in1_ref[...], 0, 1)
    out_ref[:, _DIM:] = jnp.swapaxes(in2_ref[...], 0, 1)


def _build_tt(wt_in, wt_out):
    return pl.pallas_call(
        _tr_body,
        grid=(8,),
        in_specs=[
            pl.BlockSpec((_DIM, _VCHUNK), lambda i: (0, i)),
            pl.BlockSpec((_DIM, _VCHUNK), lambda i: (0, i)),
        ],
        out_specs=pl.BlockSpec((_VCHUNK, 2 * _DIM), lambda i: (i, 0)),
        out_shape=jax.ShapeDtypeStruct((_VPAD, 2 * _DIM), jnp.float32),
    )(wt_in, wt_out)


def _sc_gather(tt, centers, pos):
    info = plsc.get_sparse_core_info()
    nc, ns = info.num_cores, info.num_subcores
    nw = nc * ns
    b_per_w = _BATCH // nw
    nchunk = b_per_w // _CHUNK
    mesh = plsc.VectorSubcoreMesh(core_axis_name="c", subcore_axis_name="s")

    @functools.partial(
        pl.kernel,
        mesh=mesh,
        out_type=(
            jax.ShapeDtypeStruct((_BATCH, 2 * _DIM), jnp.float32),
            jax.ShapeDtypeStruct((_BATCH, 2 * _DIM), jnp.float32),
        ),
        scratch_types=[
            pltpu.VMEM((nchunk, _CHUNK), jnp.int32),
            pltpu.VMEM((nchunk, _CHUNK), jnp.int32),
            pltpu.VMEM((b_per_w, 2 * _DIM), jnp.float32),
            pltpu.SemaphoreType.DMA,
        ],
        compiler_params=pltpu.CompilerParams(use_tc_tiling_on_sc=False),
    )
    def gat(table, c_idx, p_idx, vu_c_out, vu_p_out, ci_v, pi_v, rows_v, sem):
        wid = lax.axis_index("s") * nc + lax.axis_index("c")
        base = wid * b_per_w
        for j in range(nchunk):
            pltpu.sync_copy(c_idx.at[pl.ds(base + j * _CHUNK, _CHUNK)], ci_v.at[j])
            pltpu.sync_copy(p_idx.at[pl.ds(base + j * _CHUNK, _CHUNK)], pi_v.at[j])
        for idx_v, out in ((ci_v, vu_c_out), (pi_v, vu_p_out)):
            copies = [
                pltpu.async_copy(table.at[idx_v.at[j]],
                                 rows_v.at[pl.ds(j * _CHUNK, _CHUNK)], sem)
                for j in range(nchunk)
            ]
            for cp in copies:
                cp.wait()
            pltpu.sync_copy(rows_v, out.at[pl.ds(base, b_per_w)])

    return gat(tt, centers, pos)


def _tc_body(counts_ref, w256_ref, vuc_ref, vup_ref, out_ref):
    i = pl.program_id(0)

    counts = counts_ref[...]
    p = jnp.where(counts > 0.0,
                  jnp.exp(0.75 * jnp.log(jnp.maximum(counts, 1e-30))), 0.0)
    pn = p / jnp.sum(p)
    r = lax.broadcasted_iota(jnp.int32, (_NCAT, _NCAT), 0)
    c = lax.broadcasted_iota(jnp.int32, (_NCAT, _NCAT), 1)
    incl = (c <= r).astype(jnp.float32)
    hi = lax.dot_general(incl, pn, (((1,), (0,)), ((), ())),
                         preferred_element_type=jnp.float32)
    row = lax.broadcasted_iota(jnp.int32, (_NCAT, 1), 0)
    hi = jnp.where(row == _NCAT - 1, 2.0, hi)
    hi_b = lax.dot_general(hi, jnp.ones((1, _BLK), jnp.float32),
                           (((1,), (0,)), ((), ())),
                           preferred_element_type=jnp.float32)

    pltpu.prng_seed(0x5EED0 + i)
    bits = pltpu.prng_random_bits((16, _BLK))
    bits = pltpu.bitcast(bits, jnp.int32)
    u = lax.shift_right_logical(bits, jnp.int32(8)).astype(jnp.float32)
    u = u * (1.0 / (1 << 24))

    vc = vuc_ref[:, :_DIM]
    uo = vup_ref[:, _DIM:]
    pos_score = jnp.sum(vc * uo, axis=1, keepdims=True)
    st = lax.dot_general(w256_ref[...], vc, (((1,), (1,)), ((), ())),
                         preferred_element_type=jnp.float32)

    ls = -jnp.log(1.0 + jnp.exp(jnp.clip(st, -60.0, 60.0)))
    ls_pos = -jnp.log(1.0 + jnp.exp(jnp.clip(-pos_score, -60.0, 60.0)))

    rowb = lax.broadcasted_iota(jnp.int32, (_NCAT, _BLK), 0)
    d_step = jnp.where(rowb == _NCAT - 1, 0.0, jnp.roll(ls, -1, axis=0) - ls)
    racc = jnp.zeros((_NCAT, _BLK), jnp.float32)
    for k in range(_NEG_K):
        uk = u[k:k + 1, :]
        racc = jnp.where(uk >= hi_b, racc + d_step, racc)

    partial = (jnp.sum(ls_pos) + jnp.sum(racc)
               + _NEG_K * jnp.sum(ls[0:1, :]))

    @pl.when(i == 0)
    def _init():
        out_ref[0, 0] = 0.0

    out_ref[0, 0] += partial


def kernel(centers, pos, embed_in_w, embed_out_w, counts):
    tt = _build_tt(embed_in_w.T, embed_out_w.T)
    vu_c, vu_p = _sc_gather(tt, centers, pos)
    w256 = embed_out_w[:_NCAT]
    counts2 = counts.reshape(_NCAT, 1)
    grid = _BATCH // _BLK
    total = pl.pallas_call(
        _tc_body,
        grid=(grid,),
        in_specs=[
            pl.BlockSpec((_NCAT, 1), lambda i: (0, 0)),
            pl.BlockSpec((_NCAT, _DIM), lambda i: (0, 0)),
            pl.BlockSpec((_BLK, 2 * _DIM), lambda i: (i, 0)),
            pl.BlockSpec((_BLK, 2 * _DIM), lambda i: (i, 0)),
        ],
        out_specs=pl.BlockSpec((1, 1), lambda i: (0, 0), memory_space=pltpu.SMEM),
        out_shape=jax.ShapeDtypeStruct((1, 1), jnp.float32),
        compiler_params=pltpu.CompilerParams(dimension_semantics=("arbitrary",)),
    )(counts2, w256, vu_c, vu_p)
    return -total[0, 0] / _BATCH

# --- scband reference (transcript-rebuilt; emitter-appended) ---
"""Pipeline reference for scband-sgns-25958782337670 (READ-ONLY COPY).

The authoritative reference and input builder live on the scoring server;
editing this copy changes nothing except your own understanding.
"""

import jax, jax.numpy as jnp
import numpy as np

VOCAB = 100000
DIM = 64
BATCH = 16384
NEG_K = 10
COUNTS_LEN = 256


def setup_inputs(seed: int = 0) -> dict:
    key = jax.random.key(seed)
    k1, k2, k3, k4 = jax.random.split(key, 4)
    centers = jax.random.randint(k1, (BATCH,), 0, VOCAB, dtype=jnp.int32)
    pos = jax.random.randint(k2, (BATCH,), 0, VOCAB, dtype=jnp.int32)
    # learned parameters (embed_in init uniform per module, embed_out small random for nontrivial signal)
    embed_in_w = jax.random.uniform(k3, (VOCAB, DIM), minval=-0.5 / VOCAB, maxval=0.5 / VOCAB, dtype=jnp.float32)
    embed_out_w = jax.random.normal(k4, (VOCAB, DIM), dtype=jnp.float32) * 0.01
    counts = jnp.ones((COUNTS_LEN,), dtype=jnp.float32)
    return {"centers": centers, "pos": pos, "embed_in_w": embed_in_w, "embed_out_w": embed_out_w, "counts": counts}


def _neg_sample(counts, b, k):
    # unigram^0.75 distribution, multinomial with replacement -> categorical sampling
    p = jnp.power(counts, 0.75)
    p = p / jnp.sum(p)
    nkey = jax.random.fold_in(jax.random.key(0), 12345)
    return jax.random.categorical(nkey, jnp.log(p), shape=(b, k))


def reference(centers, pos, embed_in_w, embed_out_w, counts):
    neg = _neg_sample(counts, centers.shape[0], NEG_K)  # [B, K] int
    v_c = jnp.take(embed_in_w, centers, axis=0)         # [B, D] gather
    u_o = jnp.take(embed_out_w, pos, axis=0)            # [B, D] gather
    u_k = jnp.take(embed_out_w, neg, axis=0)            # [B, K, D] gather
    pos_score = jnp.sum(v_c * u_o, axis=1)              # [B]
    neg_score = jnp.sum(u_k * v_c[:, None, :], axis=-1) # [B, K]
    loss = -jnp.mean(jax.nn.log_sigmoid(pos_score) + jnp.sum(jax.nn.log_sigmoid(-neg_score), axis=1))
    return loss

if __name__ == "__main__":
    import jax
    _d = setup_inputs()
    print(jax.jit(kernel)(*tuple(_d.values())))

</pallas_src>

<mosaic_0001>
#map = affine_map<(d0, d1) -> (0, 0)>
#map1 = affine_map<(d0, d1) -> (0)>
module attributes {stable_mosaic.version = 14 : i64} {
  func.func @gat(%arg0: i32, %arg1: i32, %arg2: memref<100352x128xf32, #tpu.memory_space<hbm>>, %arg3: memref<16384xi32, #tpu.memory_space<hbm>>, %arg4: memref<16384xi32, #tpu.memory_space<hbm>>, %arg5: memref<16384x128xf32, #tpu.memory_space<hbm>>, %arg6: memref<16384x128xf32, #tpu.memory_space<hbm>>, %arg7: memref<4x128xi32, #tpu.memory_space<vmem>>, %arg8: memref<4x128xi32, #tpu.memory_space<vmem>>, %arg9: memref<512x128xf32, #tpu.memory_space<vmem>>, %arg10: memref<!tpu.dma_semaphore, #tpu.memory_space<semaphore_mem>>) attributes {dimension_semantics = [#tpu.dimension_semantics<core_parallel>, #tpu.dimension_semantics<subcore_parallel>], iteration_bounds = array<i64: 2, 16>, scalar_prefetch = 0 : i64, scratch_operands = 4 : i64, tpu.core_type = #tpu.core_type<sc_vector_subcore>, window_params = [{transform_indices = #map}, {transform_indices = #map1}, {transform_indices = #map1}, {transform_indices = #map}, {transform_indices = #map}]} {
    %mul3A = arith.constant 2 : i32
    %mul3A_0 = arith.muli %arg1, %mul3A : i32
    %add3A = arith.addi %mul3A_0, %arg0 : i32
    %mul3A_1 = arith.constant 512 : i32
    %mul3A_2 = arith.muli %add3A, %mul3A_1 : i32
    %add3A_3 = arith.constant 0 : i32
    %add3A_4 = arith.addi %mul3A_2, %add3A_3 : i32
    %run_scoped3A = arith.constant 0 : i32
    "tpu.region"() ({
      %run_scoped3A_184 = tpu.sem_alloc : memref<!tpu.dma_semaphore, #tpu.memory_space<semaphore_mem>>
      %dma_start3A_185 = arith.constant 0 : i32
      %dma_start3A_186 = tpu.memref_slice %arg7[%run_scoped3A, %dma_start3A_185] : memref<4x128xi32, #tpu.memory_space<vmem>> -> memref<1x128xi32, #tpu.memory_space<vmem>>
      %dma_start3A_187 = tpu.memref_squeeze %dma_start3A_186 : memref<1x128xi32, #tpu.memory_space<vmem>> -> memref<128xi32, #tpu.memory_space<vmem>>
      %dma_start3A_188 = tpu.memref_slice %arg3[%add3A_4] : memref<16384xi32, #tpu.memory_space<hbm>> -> memref<128xi32, #tpu.memory_space<hbm>>
      %dma_start3A_189 = arith.constant 0 : i32
      %dma_start3A_190 = tpu.memref_slice %arg7[%run_scoped3A, %dma_start3A_189] : memref<4x128xi32, #tpu.memory_space<vmem>> -> memref<1x128xi32, #tpu.memory_space<vmem>>
      %dma_start3A_191 = tpu.memref_squeeze %dma_start3A_190 : memref<1x128xi32, #tpu.memory_space<vmem>> -> memref<128xi32, #tpu.memory_space<vmem>>
      %dma_start3A_192 = tpu.memref_slice %arg3[%add3A_4] : memref<16384xi32, #tpu.memory_space<hbm>> -> memref<128xi32, #tpu.memory_space<hbm>>
      tpu.enqueue_dma source(%dma_start3A_192 : memref<128xi32, #tpu.memory_space<hbm>>) target(%dma_start3A_191 : memref<128xi32, #tpu.memory_space<vmem>>) target_semaphore(%run_scoped3A_184 : memref<!tpu.dma_semaphore, #tpu.memory_space<semaphore_mem>>)
      %dma_wait3A_193 = arith.constant 0 : i32
      %dma_wait3A_194 = tpu.memref_slice %arg7[%run_scoped3A, %dma_wait3A_193] : memref<4x128xi32, #tpu.memory_space<vmem>> -> memref<1x128xi32, #tpu.memory_space<vmem>>
      %dma_wait3A_195 = tpu.memref_squeeze %dma_wait3A_194 : memref<1x128xi32, #tpu.memory_space<vmem>> -> memref<128xi32, #tpu.memory_space<vmem>>
      %dma_wait3A_196 = tpu.memref_slice %arg3[%add3A_4] : memref<16384xi32, #tpu.memory_space<hbm>> -> memref<128xi32, #tpu.memory_space<hbm>>
      %dma_wait3A_197 = arith.constant 0 : i32
      %dma_wait3A_198 = tpu.memref_slice %arg7[%run_scoped3A, %dma_wait3A_197] : memref<4x128xi32, #tpu.memory_space<vmem>> -> memref<1x128xi32, #tpu.memory_space<vmem>>
      %dma_wait3A_199 = tpu.memref_squeeze %dma_wait3A_198 : memref<1x128xi32, #tpu.memory_space<vmem>> -> memref<128xi32, #tpu.memory_space<vmem>>
      %dma_wait3A_200 = tpu.memref_slice %arg3[%add3A_4] : memref<16384xi32, #tpu.memory_space<hbm>> -> memref<128xi32, #tpu.memory_space<hbm>>
      tpu.wait_dma2 semaphore(%run_scoped3A_184 : memref<!tpu.dma_semaphore, #tpu.memory_space<semaphore_mem>>) src(%dma_wait3A_200 : memref<128xi32, #tpu.memory_space<hbm>>) dst(%dma_wait3A_199 : memref<128xi32, #tpu.memory_space<vmem>>)
      tpu.yield
    }) : () -> ()
    %add3A_5 = arith.constant 0 : i32
    %add3A_6 = arith.addi %mul3A_2, %add3A_5 : i32
    %run_scoped3A_7 = arith.constant 0 : i32
    "tpu.region"() ({
      %run_scoped3A_184 = tpu.sem_alloc : memref<!tpu.dma_semaphore, #tpu.memory_space<semaphore_mem>>
      %dma_start3A_185 = arith.constant 0 : i32
      %dma_start3A_186 = tpu.memref_slice %arg8[%run_scoped3A_7, %dma_start3A_185] : memref<4x128xi32, #tpu.memory_space<vmem>> -> memref<1x128xi32, #tpu.memory_space<vmem>>
      %dma_start3A_187 = tpu.memref_squeeze %dma_start3A_186 : memref<1x128xi32, #tpu.memory_space<vmem>> -> memref<128xi32, #tpu.memory_space<vmem>>
      %dma_start3A_188 = tpu.memref_slice %arg4[%add3A_6] : memref<16384xi32, #tpu.memory_space<hbm>> -> memref<128xi32, #tpu.memory_space<hbm>>
      %dma_start3A_189 = arith.constant 0 : i32
      %dma_start3A_190 = tpu.memref_slice %arg8[%run_scoped3A_7, %dma_start3A_189] : memref<4x128xi32, #tpu.memory_space<vmem>> -> memref<1x128xi32, #tpu.memory_space<vmem>>
      %dma_start3A_191 = tpu.memref_squeeze %dma_start3A_190 : memref<1x128xi32, #tpu.memory_space<vmem>> -> memref<128xi32, #tpu.memory_space<vmem>>
      %dma_start3A_192 = tpu.memref_slice %arg4[%add3A_6] : memref<16384xi32, #tpu.memory_space<hbm>> -> memref<128xi32, #tpu.memory_space<hbm>>
      tpu.enqueue_dma source(%dma_start3A_192 : memref<128xi32, #tpu.memory_space<hbm>>) target(%dma_start3A_191 : memref<128xi32, #tpu.memory_space<vmem>>) target_semaphore(%run_scoped3A_184 : memref<!tpu.dma_semaphore, #tpu.memory_space<semaphore_mem>>)
      %dma_wait3A_193 = arith.constant 0 : i32
      %dma_wait3A_194 = tpu.memref_slice %arg8[%run_scoped3A_7, %dma_wait3A_193] : memref<4x128xi32, #tpu.memory_space<vmem>> -> memref<1x128xi32, #tpu.memory_space<vmem>>
      %dma_wait3A_195 = tpu.memref_squeeze %dma_wait3A_194 : memref<1x128xi32, #tpu.memory_space<vmem>> -> memref<128xi32, #tpu.memory_space<vmem>>
      %dma_wait3A_196 = tpu.memref_slice %arg4[%add3A_6] : memref<16384xi32, #tpu.memory_space<hbm>> -> memref<128xi32, #tpu.memory_space<hbm>>
      %dma_wait3A_197 = arith.constant 0 : i32
      %dma_wait3A_198 = tpu.memref_slice %arg8[%run_scoped3A_7, %dma_wait3A_197] : memref<4x128xi32, #tpu.memory_space<vmem>> -> memref<1x128xi32, #tpu.memory_space<vmem>>
      %dma_wait3A_199 = tpu.memref_squeeze %dma_wait3A_198 : memref<1x128xi32, #tpu.memory_space<vmem>> -> memref<128xi32, #tpu.memory_space<vmem>>
      %dma_wait3A_200 = tpu.memref_slice %arg4[%add3A_6] : memref<16384xi32, #tpu.memory_space<hbm>> -> memref<128xi32, #tpu.memory_space<hbm>>
      tpu.wait_dma2 semaphore(%run_scoped3A_184 : memref<!tpu.dma_semaphore, #tpu.memory_space<semaphore_mem>>) src(%dma_wait3A_200 : memref<128xi32, #tpu.memory_space<hbm>>) dst(%dma_wait3A_199 : memref<128xi32, #tpu.memory_space<vmem>>)
      tpu.yield
    }) : () -> ()
    %add3A_8 = arith.constant 128 : i32
    %add3A_9 = arith.addi %mul3A_2, %add3A_8 : i32
    %run_scoped3A_10 = arith.constant 1 : i32
    "tpu.region"() ({
      %run_scoped3A_184 = tpu.sem_alloc : memref<!tpu.dma_semaphore, #tpu.memory_space<semaphore_mem>>
      %dma_start3A_185 = arith.constant 0 : i32
      %dma_start3A_186 = tpu.memref_slice %arg7[%run_scoped3A_10, %dma_start3A_185] : memref<4x128xi32, #tpu.memory_space<vmem>> -> memref<1x128xi32, #tpu.memory_space<vmem>>
      %dma_start3A_187 = tpu.memref_squeeze %dma_start3A_186 : memref<1x128xi32, #tpu.memory_space<vmem>> -> memref<128xi32, #tpu.memory_space<vmem>>
      %dma_start3A_188 = tpu.memref_slice %arg3[%add3A_9] : memref<16384xi32, #tpu.memory_space<hbm>> -> memref<128xi32, #tpu.memory_space<hbm>>
      %dma_start3A_189 = arith.constant 0 : i32
      %dma_start3A_190 = tpu.memref_slice %arg7[%run_scoped3A_10, %dma_start3A_189] : memref<4x128xi32, #tpu.memory_space<vmem>> -> memref<1x128xi32, #tpu.memory_space<vmem>>
      %dma_start3A_191 = tpu.memref_squeeze %dma_start3A_190 : memref<1x128xi32, #tpu.memory_space<vmem>> -> memref<128xi32, #tpu.memory_space<vmem>>
      %dma_start3A_192 = tpu.memref_slice %arg3[%add3A_9] : memref<16384xi32, #tpu.memory_space<hbm>> -> memref<128xi32, #tpu.memory_space<hbm>>
      tpu.enqueue_dma source(%dma_start3A_192 : memref<128xi32, #tpu.memory_space<hbm>>) target(%dma_start3A_191 : memref<128xi32, #tpu.memory_space<vmem>>) target_semaphore(%run_scoped3A_184 : memref<!tpu.dma_semaphore, #tpu.memory_space<semaphore_mem>>)
      %dma_wait3A_193 = arith.constant 0 : i32
      %dma_wait3A_194 = tpu.memref_slice %arg7[%run_scoped3A_10, %dma_wait3A_193] : memref<4x128xi32, #tpu.memory_space<vmem>> -> memref<1x128xi32, #tpu.memory_space<vmem>>
      %dma_wait3A_195 = tpu.memref_squeeze %dma_wait3A_194 : memref<1x128xi32, #tpu.memory_space<vmem>> -> memref<128xi32, #tpu.memory_space<vmem>>
      %dma_wait3A_196 = tpu.memref_slice %arg3[%add3A_9] : memref<16384xi32, #tpu.memory_space<hbm>> -> memref<128xi32, #tpu.memory_space<hbm>>
      %dma_wait3A_197 = arith.constant 0 : i32
      %dma_wait3A_198 = tpu.memref_slice %arg7[%run_scoped3A_10, %dma_wait3A_197] : memref<4x128xi32, #tpu.memory_space<vmem>> -> memref<1x128xi32, #tpu.memory_space<vmem>>
      %dma_wait3A_199 = tpu.memref_squeeze %dma_wait3A_198 : memref<1x128xi32, #tpu.memory_space<vmem>> -> memref<128xi32, #tpu.memory_space<vmem>>
      %dma_wait3A_200 = tpu.memref_slice %arg3[%add3A_9] : memref<16384xi32, #tpu.memory_space<hbm>> -> memref<128xi32, #tpu.memory_space<hbm>>
      tpu.wait_dma2 semaphore(%run_scoped3A_184 : memref<!tpu.dma_semaphore, #tpu.memory_space<semaphore_mem>>) src(%dma_wait3A_200 : memref<128xi32, #tpu.memory_space<hbm>>) dst(%dma_wait3A_199 : memref<128xi32, #tpu.memory_space<vmem>>)
      tpu.yield
    }) : () -> ()
    %add3A_11 = arith.constant 128 : i32
    %add3A_12 = arith.addi %mul3A_2, %add3A_11 : i32
    %run_scoped3A_13 = arith.constant 1 : i32
    "tpu.region"() ({
      %run_scoped3A_184 = tpu.sem_alloc : memref<!tpu.dma_semaphore, #tpu.memory_space<semaphore_mem>>
      %dma_start3A_185 = arith.constant 0 : i32
      %dma_start3A_186 = tpu.memref_slice %arg8[%run_scoped3A_13, %dma_start3A_185] : memref<4x128xi32, #tpu.memory_space<vmem>> -> memref<1x128xi32, #tpu.memory_space<vmem>>
      %dma_start3A_187 = tpu.memref_squeeze %dma_start3A_186 : memref<1x128xi32, #tpu.memory_space<vmem>> -> memref<128xi32, #tpu.memory_space<vmem>>
      %dma_start3A_188 = tpu.memref_slice %arg4[%add3A_12] : memref<16384xi32, #tpu.memory_space<hbm>> -> memref<128xi32, #tpu.memory_space<hbm>>
      %dma_start3A_189 = arith.constant 0 : i32
      %dma_start3A_190 = tpu.memref_slice %arg8[%run_scoped3A_13, %dma_start3A_189] : memref<4x128xi32, #tpu.memory_space<vmem>> -> memref<1x128xi32, #tpu.memory_space<vmem>>
      %dma_start3A_191 = tpu.memref_squeeze %dma_start3A_190 : memref<1x128xi32, #tpu.memory_space<vmem>> -> memref<128xi32, #tpu.memory_space<vmem>>
      %dma_start3A_192 = tpu.memref_slice %arg4[%add3A_12] : memref<16384xi32, #tpu.memory_space<hbm>> -> memref<128xi32, #tpu.memory_space<hbm>>
      tpu.enqueue_dma source(%dma_start3A_192 : memref<128xi32, #tpu.memory_space<hbm>>) target(%dma_start3A_191 : memref<128xi32, #tpu.memory_space<vmem>>) target_semaphore(%run_scoped3A_184 : memref<!tpu.dma_semaphore, #tpu.memory_space<semaphore_mem>>)
      %dma_wait3A_193 = arith.constant 0 : i32
      %dma_wait3A_194 = tpu.memref_slice %arg8[%run_scoped3A_13, %dma_wait3A_193] : memref<4x128xi32, #tpu.memory_space<vmem>> -> memref<1x128xi32, #tpu.memory_space<vmem>>
      %dma_wait3A_195 = tpu.memref_squeeze %dma_wait3A_194 : memref<1x128xi32, #tpu.memory_space<vmem>> -> memref<128xi32, #tpu.memory_space<vmem>>
      %dma_wait3A_196 = tpu.memref_slice %arg4[%add3A_12] : memref<16384xi32, #tpu.memory_space<hbm>> -> memref<128xi32, #tpu.memory_space<hbm>>
      %dma_wait3A_197 = arith.constant 0 : i32
      %dma_wait3A_198 = tpu.memref_slice %arg8[%run_scoped3A_13, %dma_wait3A_197] : memref<4x128xi32, #tpu.memory_space<vmem>> -> memref<1x128xi32, #tpu.memory_space<vmem>>
      %dma_wait3A_199 = tpu.memref_squeeze %dma_wait3A_198 : memref<1x128xi32, #tpu.memory_space<vmem>> -> memref<128xi32, #tpu.memory_space<vmem>>
      %dma_wait3A_200 = tpu.memref_slice %arg4[%add3A_12] : memref<16384xi32, #tpu.memory_space<hbm>> -> memref<128xi32, #tpu.memory_space<hbm>>
      tpu.wait_dma2 semaphore(%run_scoped3A_184 : memref<!tpu.dma_semaphore, #tpu.memory_space<semaphore_mem>>) src(%dma_wait3A_200 : memref<128xi32, #tpu.memory_space<hbm>>) dst(%dma_wait3A_199 : memref<128xi32, #tpu.memory_space<vmem>>)
      tpu.yield
    }) : () -> ()
    %add3A_14 = arith.constant 256 : i32
    %add3A_15 = arith.addi %mul3A_2, %add3A_14 : i32
    %run_scoped3A_16 = arith.constant 2 : i32
    "tpu.region"() ({
      %run_scoped3A_184 = tpu.sem_alloc : memref<!tpu.dma_semaphore, #tpu.memory_space<semaphore_mem>>
      %dma_start3A_185 = arith.constant 0 : i32
      %dma_start3A_186 = tpu.memref_slice %arg7[%run_scoped3A_16, %dma_start3A_185] : memref<4x128xi32, #tpu.memory_space<vmem>> -> memref<1x128xi32, #tpu.memory_space<vmem>>
      %dma_start3A_187 = tpu.memref_squeeze %dma_start3A_186 : memref<1x128xi32, #tpu.memory_space<vmem>> -> memref<128xi32, #tpu.memory_space<vmem>>
      %dma_start3A_188 = tpu.memref_slice %arg3[%add3A_15] : memref<16384xi32, #tpu.memory_space<hbm>> -> memref<128xi32, #tpu.memory_space<hbm>>
      %dma_start3A_189 = arith.constant 0 : i32
      %dma_start3A_190 = tpu.memref_slice %arg7[%run_scoped3A_16, %dma_start3A_189] : memref<4x128xi32, #tpu.memory_space<vmem>> -> memref<1x128xi32, #tpu.memory_space<vmem>>
      %dma_start3A_191 = tpu.memref_squeeze %dma_start3A_190 : memref<1x128xi32, #tpu.memory_space<vmem>> -> memref<128xi32, #tpu.memory_space<vmem>>
      %dma_start3A_192 = tpu.memref_slice %arg3[%add3A_15] : memref<16384xi32, #tpu.memory_space<hbm>> -> memref<128xi32, #tpu.memory_space<hbm>>
      tpu.enqueue_dma source(%dma_start3A_192 : memref<128xi32, #tpu.memory_space<hbm>>) target(%dma_start3A_191 : memref<128xi32, #tpu.memory_space<vmem>>) target_semaphore(%run_scoped3A_184 : memref<!tpu.dma_semaphore, #tpu.memory_space<semaphore_mem>>)
      %dma_wait3A_193 = arith.constant 0 : i32
      %dma_wait3A_194 = tpu.memref_slice %arg7[%run_scoped3A_16, %dma_wait3A_193] : memref<4x128xi32, #tpu.memory_space<vmem>> -> memref<1x128xi32, #tpu.memory_space<vmem>>
      %dma_wait3A_195 = tpu.memref_squeeze %dma_wait3A_194 : memref<1x128xi32, #tpu.memory_space<vmem>> -> memref<128xi32, #tpu.memory_space<vmem>>
      %dma_wait3A_196 = tpu.memref_slice %arg3[%add3A_15] : memref<16384xi32, #tpu.memory_space<hbm>> -> memref<128xi32, #tpu.memory_space<hbm>>
      %dma_wait3A_197 = arith.constant 0 : i32
      %dma_wait3A_198 = tpu.memref_slice %arg7[%run_scoped3A_16, %dma_wait3A_197] : memref<4x128xi32, #tpu.memory_space<vmem>> -> memref<1x128xi32, #tpu.memory_space<vmem>>
      %dma_wait3A_199 = tpu.memref_squeeze %dma_wait3A_198 : memref<1x128xi32, #tpu.memory_space<vmem>> -> memref<128xi32, #tpu.memory_space<vmem>>
      %dma_wait3A_200 = tpu.memref_slice %arg3[%add3A_15] : memref<16384xi32, #tpu.memory_space<hbm>> -> memref<128xi32, #tpu.memory_space<hbm>>
      tpu.wait_dma2 semaphore(%run_scoped3A_184 : memref<!tpu.dma_semaphore, #tpu.memory_space<semaphore_mem>>) src(%dma_wait3A_200 : memref<128xi32, #tpu.memory_space<hbm>>) dst(%dma_wait3A_199 : memref<128xi32, #tpu.memory_space<vmem>>)
      tpu.yield
    }) : () -> ()
    %add3A_17 = arith.constant 256 : i32
    %add3A_18 = arith.addi %mul3A_2, %add3A_17 : i32
    %run_scoped3A_19 = arith.constant 2 : i32
    "tpu.region"() ({
      %run_scoped3A_184 = tpu.sem_alloc : memref<!tpu.dma_semaphore, #tpu.memory_space<semaphore_mem>>
      %dma_start3A_185 = arith.constant 0 : i32
      %dma_start3A_186 = tpu.memref_slice %arg8[%run_scoped3A_19, %dma_start3A_185] : memref<4x128xi32, #tpu.memory_space<vmem>> -> memref<1x128xi32, #tpu.memory_space<vmem>>
      %dma_start3A_187 = tpu.memref_squeeze %dma_start3A_186 : memref<1x128xi32, #tpu.memory_space<vmem>> -> memref<128xi32, #tpu.memory_space<vmem>>
      %dma_start3A_188 = tpu.memref_slice %arg4[%add3A_18] : memref<16384xi32, #tpu.memory_space<hbm>> -> memref<128xi32, #tpu.memory_space<hbm>>
      %dma_start3A_189 = arith.constant 0 : i32
      %dma_start3A_190 = tpu.memref_slice %arg8[%run_scoped3A_19, %dma_start3A_189] : memref<4x128xi32, #tpu.memory_space<vmem>> -> memref<1x128xi32, #tpu.memory_space<vmem>>
      %dma_start3A_191 = tpu.memref_squeeze %dma_start3A_190 : memref<1x128xi32, #tpu.memory_space<vmem>> -> memref<128xi32, #tpu.memory_space<vmem>>
      %dma_start3A_192 = tpu.memref_slice %arg4[%add3A_18] : memref<16384xi32, #tpu.memory_space<hbm>> -> memref<128xi32, #tpu.memory_space<hbm>>
      tpu.enqueue_dma source(%dma_start3A_192 : memref<128xi32, #tpu.memory_space<hbm>>) target(%dma_start3A_191 : memref<128xi32, #tpu.memory_space<vmem>>) target_semaphore(%run_scoped3A_184 : memref<!tpu.dma_semaphore, #tpu.memory_space<semaphore_mem>>)
      %dma_wait3A_193 = arith.constant 0 : i32
      %dma_wait3A_194 = tpu.memref_slice %arg8[%run_scoped3A_19, %dma_wait3A_193] : memref<4x128xi32, #tpu.memory_space<vmem>> -> memref<1x128xi32, #tpu.memory_space<vmem>>
      %dma_wait3A_195 = tpu.memref_squeeze %dma_wait3A_194 : memref<1x128xi32, #tpu.memory_space<vmem>> -> memref<128xi32, #tpu.memory_space<vmem>>
      %dma_wait3A_196 = tpu.memref_slice %arg4[%add3A_18] : memref<16384xi32, #tpu.memory_space<hbm>> -> memref<128xi32, #tpu.memory_space<hbm>>
      %dma_wait3A_197 = arith.constant 0 : i32
      %dma_wait3A_198 = tpu.memref_slice %arg8[%run_scoped3A_19, %dma_wait3A_197] : memref<4x128xi32, #tpu.memory_space<vmem>> -> memref<1x128xi32, #tpu.memory_space<vmem>>
      %dma_wait3A_199 = tpu.memref_squeeze %dma_wait3A_198 : memref<1x128xi32, #tpu.memory_space<vmem>> -> memref<128xi32, #tpu.memory_space<vmem>>
      %dma_wait3A_200 = tpu.memref_slice %arg4[%add3A_18] : memref<16384xi32, #tpu.memory_space<hbm>> -> memref<128xi32, #tpu.memory_space<hbm>>
      tpu.wait_dma2 semaphore(%run_scoped3A_184 : memref<!tpu.dma_semaphore, #tpu.memory_space<semaphore_mem>>) src(%dma_wait3A_200 : memref<128xi32, #tpu.memory_space<hbm>>) dst(%dma_wait3A_199 : memref<128xi32, #tpu.memory_space<vmem>>)
      tpu.yield
    }) : () -> ()
    %add3A_20 = arith.constant 384 : i32
    %add3A_21 = arith.addi %mul3A_2, %add3A_20 : i32
    %run_scoped3A_22 = arith.constant 3 : i32
    "tpu.region"() ({
      %run_scoped3A_184 = tpu.sem_alloc : memref<!tpu.dma_semaphore, #tpu.memory_space<semaphore_mem>>
      %dma_start3A_185 = arith.constant 0 : i32
      %dma_start3A_186 = tpu.memref_slice %arg7[%run_scoped3A_22, %dma_start3A_185] : memref<4x128xi32, #tpu.memory_space<vmem>> -> memref<1x128xi32, #tpu.memory_space<vmem>>
      %dma_start3A_187 = tpu.memref_squeeze %dma_start3A_186 : memref<1x128xi32, #tpu.memory_space<vmem>> -> memref<128xi32, #tpu.memory_space<vmem>>
      %dma_start3A_188 = tpu.memref_slice %arg3[%add3A_21] : memref<16384xi32, #tpu.memory_space<hbm>> -> memref<128xi32, #tpu.memory_space<hbm>>
      %dma_start3A_189 = arith.constant 0 : i32
      %dma_start3A_190 = tpu.memref_slice %arg7[%run_scoped3A_22, %dma_start3A_189] : memref<4x128xi32, #tpu.memory_space<vmem>> -> memref<1x128xi32, #tpu.memory_space<vmem>>
      %dma_start3A_191 = tpu.memref_squeeze %dma_start3A_190 : memref<1x128xi32, #tpu.memory_space<vmem>> -> memref<128xi32, #tpu.memory_space<vmem>>
      %dma_start3A_192 = tpu.memref_slice %arg3[%add3A_21] : memref<16384xi32, #tpu.memory_space<hbm>> -> memref<128xi32, #tpu.memory_space<hbm>>
      tpu.enqueue_dma source(%dma_start3A_192 : memref<128xi32, #tpu.memory_space<hbm>>) target(%dma_start3A_191 : memref<128xi32, #tpu.memory_space<vmem>>) target_semaphore(%run_scoped3A_184 : memref<!tpu.dma_semaphore, #tpu.memory_space<semaphore_mem>>)
      %dma_wait3A_193 = arith.constant 0 : i32
      %dma_wait3A_194 = tpu.memref_slice %arg7[%run_scoped3A_22, %dma_wait3A_193] : memref<4x128xi32, #tpu.memory_space<vmem>> -> memref<1x128xi32, #tpu.memory_space<vmem>>
      %dma_wait3A_195 = tpu.memref_squeeze %dma_wait3A_194 : memref<1x128xi32, #tpu.memory_space<vmem>> -> memref<128xi32, #tpu.memory_space<vmem>>
      %dma_wait3A_196 = tpu.memref_slice %arg3[%add3A_21] : memref<16384xi32, #tpu.memory_space<hbm>> -> memref<128xi32, #tpu.memory_space<hbm>>
      %dma_wait3A_197 = arith.constant 0 : i32
      %dma_wait3A_198 = tpu.memref_slice %arg7[%run_scoped3A_22, %dma_wait3A_197] : memref<4x128xi32, #tpu.memory_space<vmem>> -> memref<1x128xi32, #tpu.memory_space<vmem>>
      %dma_wait3A_199 = tpu.memref_squeeze %dma_wait3A_198 : memref<1x128xi32, #tpu.memory_space<vmem>> -> memref<128xi32, #tpu.memory_space<vmem>>
      %dma_wait3A_200 = tpu.memref_slice %arg3[%add3A_21] : memref<16384xi32, #tpu.memory_space<hbm>> -> memref<128xi32, #tpu.memory_space<hbm>>
      tpu.wait_dma2 semaphore(%run_scoped3A_184 : memref<!tpu.dma_semaphore, #tpu.memory_space<semaphore_mem>>) src(%dma_wait3A_200 : memref<128xi32, #tpu.memory_space<hbm>>) dst(%dma_wait3A_199 : memref<128xi32, #tpu.memory_space<vmem>>)
      tpu.yield
    }) : () -> ()
    %add3A_23 = arith.constant 384 : i32
    %add3A_24 = arith.addi %mul3A_2, %add3A_23 : i32
    %run_scoped3A_25 = arith.constant 3 : i32
    "tpu.region"() ({
      %run_scoped3A_184 = tpu.sem_alloc : memref<!tpu.dma_semaphore, #tpu.memory_space<semaphore_mem>>
      %dma_start3A_185 = arith.constant 0 : i32
      %dma_start3A_186 = tpu.memref_slice %arg8[%run_scoped3A_25, %dma_start3A_185] : memref<4x128xi32, #tpu.memory_space<vmem>> -> memref<1x128xi32, #tpu.memory_space<vmem>>
      %dma_start3A_187 = tpu.memref_squeeze %dma_start3A_186 : memref<1x128xi32, #tpu.memory_space<vmem>> -> memref<128xi32, #tpu.memory_space<vmem>>
      %dma_start3A_188 = tpu.memref_slice %arg4[%add3A_24] : memref<16384xi32, #tpu.memory_space<hbm>> -> memref<128xi32, #tpu.memory_space<hbm>>
      %dma_start3A_189 = arith.constant 0 : i32
      %dma_start3A_190 = tpu.memref_slice %arg8[%run_scoped3A_25, %dma_start3A_189] : memref<4x128xi32, #tpu.memory_space<vmem>> -> memref<1x128xi32, #tpu.memory_space<vmem>>
      %dma_start3A_191 = tpu.memref_squeeze %dma_start3A_190 : memref<1x128xi32, #tpu.memory_space<vmem>> -> memref<128xi32, #tpu.memory_space<vmem>>
      %dma_start3A_192 = tpu.memref_slice %arg4[%add3A_24] : memref<16384xi32, #tpu.memory_space<hbm>> -> memref<128xi32, #tpu.memory_space<hbm>>
      tpu.enqueue_dma source(%dma_start3A_192 : memref<128xi32, #tpu.memory_space<hbm>>) target(%dma_start3A_191 : memref<128xi32, #tpu.memory_space<vmem>>) target_semaphore(%run_scoped3A_184 : memref<!tpu.dma_semaphore, #tpu.memory_space<semaphore_mem>>)
      %dma_wait3A_193 = arith.constant 0 : i32
      %dma_wait3A_194 = tpu.memref_slice %arg8[%run_scoped3A_25, %dma_wait3A_193] : memref<4x128xi32, #tpu.memory_space<vmem>> -> memref<1x128xi32, #tpu.memory_space<vmem>>
      %dma_wait3A_195 = tpu.memref_squeeze %dma_wait3A_194 : memref<1x128xi32, #tpu.memory_space<vmem>> -> memref<128xi32, #tpu.memory_space<vmem>>
      %dma_wait3A_196 = tpu.memref_slice %arg4[%add3A_24] : memref<16384xi32, #tpu.memory_space<hbm>> -> memref<128xi32, #tpu.memory_space<hbm>>
      %dma_wait3A_197 = arith.constant 0 : i32
      %dma_wait3A_198 = tpu.memref_slice %arg8[%run_scoped3A_25, %dma_wait3A_197] : memref<4x128xi32, #tpu.memory_space<vmem>> -> memref<1x128xi32, #tpu.memory_space<vmem>>
      %dma_wait3A_199 = tpu.memref_squeeze %dma_wait3A_198 : memref<1x128xi32, #tpu.memory_space<vmem>> -> memref<128xi32, #tpu.memory_space<vmem>>
      %dma_wait3A_200 = tpu.memref_slice %arg4[%add3A_24] : memref<16384xi32, #tpu.memory_space<hbm>> -> memref<128xi32, #tpu.memory_space<hbm>>
      tpu.wait_dma2 semaphore(%run_scoped3A_184 : memref<!tpu.dma_semaphore, #tpu.memory_space<semaphore_mem>>) src(%dma_wait3A_200 : memref<128xi32, #tpu.memory_space<hbm>>) dst(%dma_wait3A_199 : memref<128xi32, #tpu.memory_space<vmem>>)
      tpu.yield
    }) : () -> ()
    %dma_start3A = arith.constant 0 : i32
    %dma_start3A_26 = arith.constant 0 : i32
    %dma_start3A_27 = arith.constant 0 : i32
    %dma_start3A_28 = tpu.memref_slice %arg9[%dma_start3A_26, %dma_start3A_27] : memref<512x128xf32, #tpu.memory_space<vmem>> -> memref<128x128xf32, #tpu.memory_space<vmem>>
    %dma_start3A_29 = arith.constant 0 : i32
    %dma_start3A_30 = tpu.memref_slice %arg7[%dma_start3A, %dma_start3A_29] : memref<4x128xi32, #tpu.memory_space<vmem>> -> memref<1x128xi32, #tpu.memory_space<vmem>>
    %dma_start3A_31 = tpu.memref_squeeze %dma_start3A_30 : memref<1x128xi32, #tpu.memory_space<vmem>> -> memref<128xi32, #tpu.memory_space<vmem>>
    %dma_start3A_32 = arith.constant 0 : i32
    %dma_start3A_33 = arith.constant 0 : i32
    %dma_start3A_34 = tpu.memref_slice %arg2[%dma_start3A_32, %dma_start3A_33] : memref<100352x128xf32, #tpu.memory_space<hbm>> -> memref<100352x128xf32, #tpu.memory_space<hbm>>
    tpu.enqueue_indirect_dma source(%dma_start3A_34 : memref<100352x128xf32, #tpu.memory_space<hbm>>) target(%dma_start3A_28 : memref<128x128xf32, #tpu.memory_space<vmem>>) offsets(%dma_start3A_31 : memref<128xi32, #tpu.memory_space<vmem>>) semaphore(%arg10 : memref<!tpu.dma_semaphore, #tpu.memory_space<semaphore_mem>>)
    %dma_start3A_35 = arith.constant 1 : i32
    %dma_start3A_36 = arith.constant 128 : i32
    %dma_start3A_37 = arith.constant 0 : i32
    %dma_start3A_38 = tpu.memref_slice %arg9[%dma_start3A_36, %dma_start3A_37] : memref<512x128xf32, #tpu.memory_space<vmem>> -> memref<128x128xf32, #tpu.memory_space<vmem>>
    %dma_start3A_39 = arith.constant 0 : i32
    %dma_start3A_40 = tpu.memref_slice %arg7[%dma_start3A_35, %dma_start3A_39] : memref<4x128xi32, #tpu.memory_space<vmem>> -> memref<1x128xi32, #tpu.memory_space<vmem>>
    %dma_start3A_41 = tpu.memref_squeeze %dma_start3A_40 : memref<1x128xi32, #tpu.memory_space<vmem>> -> memref<128xi32, #tpu.memory_space<vmem>>
    %dma_start3A_42 = arith.constant 0 : i32
    %dma_start3A_43 = arith.constant 0 : i32
    %dma_start3A_44 = tpu.memref_slice %arg2[%dma_start3A_42, %dma_start3A_43] : memref<100352x128xf32, #tpu.memory_space<hbm>> -> memref<100352x128xf32, #tpu.memory_space<hbm>>
    tpu.enqueue_indirect_dma source(%dma_start3A_44 : memref<100352x128xf32, #tpu.memory_space<hbm>>) target(%dma_start3A_38 : memref<128x128xf32, #tpu.memory_space<vmem>>) offsets(%dma_start3A_41 : memref<128xi32, #tpu.memory_space<vmem>>) semaphore(%arg10 : memref<!tpu.dma_semaphore, #tpu.memory_space<semaphore_mem>>)
    %dma_start3A_45 = arith.constant 2 : i32
    %dma_start3A_46 = arith.constant 256 : i32
    %dma_start3A_47 = arith.constant 0 : i32
    %dma_start3A_48 = tpu.memref_slice %arg9[%dma_start3A_46, %dma_start3A_47] : memref<512x128xf32, #tpu.memory_space<vmem>> -> memref<128x128xf32, #tpu.memory_space<vmem>>
    %dma_start3A_49 = arith.constant 0 : i32
    %dma_start3A_50 = tpu.memref_slice %arg7[%dma_start3A_45, %dma_start3A_49] : memref<4x128xi32, #tpu.memory_space<vmem>> -> memref<1x128xi32, #tpu.memory_space<vmem>>
    %dma_start3A_51 = tpu.memref_squeeze %dma_start3A_50 : memref<1x128xi32, #tpu.memory_space<vmem>> -> memref<128xi32, #tpu.memory_space<vmem>>
    %dma_start3A_52 = arith.constant 0 : i32
    %dma_start3A_53 = arith.constant 0 : i32
    %dma_start3A_54 = tpu.memref_slice %arg2[%dma_start3A_52, %dma_start3A_53] : memref<100352x128xf32, #tpu.memory_space<hbm>> -> memref<100352x128xf32, #tpu.memory_space<hbm>>
    tpu.enqueue_indirect_dma source(%dma_start3A_54 : memref<100352x128xf32, #tpu.memory_space<hbm>>) target(%dma_start3A_48 : memref<128x128xf32, #tpu.memory_space<vmem>>) offsets(%dma_start3A_51 : memref<128xi32, #tpu.memory_space<vmem>>) semaphore(%arg10 : memref<!tpu.dma_semaphore, #tpu.memory_space<semaphore_mem>>)
    %dma_start3A_55 = arith.constant 3 : i32
    %dma_start3A_56 = arith.constant 384 : i32
    %dma_start3A_57 = arith.constant 0 : i32
    %dma_start3A_58 = tpu.memref_slice %arg9[%dma_start3A_56, %dma_start3A_57] : memref<512x128xf32, #tpu.memory_space<vmem>> -> memref<128x128xf32, #tpu.memory_space<vmem>>
    %dma_start3A_59 = arith.constant 0 : i32
    %dma_start3A_60 = tpu.memref_slice %arg7[%dma_start3A_55, %dma_start3A_59] : memref<4x128xi32, #tpu.memory_space<vmem>> -> memref<1x128xi32, #tpu.memory_space<vmem>>
    %dma_start3A_61 = tpu.memref_squeeze %dma_start3A_60 : memref<1x128xi32, #tpu.memory_space<vmem>> -> memref<128xi32, #tpu.memory_space<vmem>>
    %dma_start3A_62 = arith.constant 0 : i32
    %dma_start3A_63 = arith.constant 0 : i32
    %dma_start3A_64 = tpu.memref_slice %arg2[%dma_start3A_62, %dma_start3A_63] : memref<100352x128xf32, #tpu.memory_space<hbm>> -> memref<100352x128xf32, #tpu.memory_space<hbm>>
    tpu.enqueue_indirect_dma source(%dma_start3A_64 : memref<100352x128xf32, #tpu.memory_space<hbm>>) target(%dma_start3A_58 : memref<128x128xf32, #tpu.memory_space<vmem>>) offsets(%dma_start3A_61 : memref<128xi32, #tpu.memory_space<vmem>>) semaphore(%arg10 : memref<!tpu.dma_semaphore, #tpu.memory_space<semaphore_mem>>)
    %dma_wait3A = arith.constant 0 : i32
    %dma_wait3A_65 = arith.constant 0 : i32
    %dma_wait3A_66 = arith.constant 0 : i32
    %dma_wait3A_67 = tpu.memref_slice %arg9[%dma_wait3A_65, %dma_wait3A_66] : memref<512x128xf32, #tpu.memory_space<vmem>> -> memref<128x128xf32, #tpu.memory_space<vmem>>
    %dma_wait3A_68 = arith.constant 0 : i32
    %dma_wait3A_69 = tpu.memref_slice %arg7[%dma_wait3A, %dma_wait3A_68] : memref<4x128xi32, #tpu.memory_space<vmem>> -> memref<1x128xi32, #tpu.memory_space<vmem>>
    %dma_wait3A_70 = tpu.memref_squeeze %dma_wait3A_69 : memref<1x128xi32, #tpu.memory_space<vmem>> -> memref<128xi32, #tpu.memory_space<vmem>>
    %dma_wait3A_71 = arith.constant 0 : i32
    %dma_wait3A_72 = arith.constant 0 : i32
    %dma_wait3A_73 = tpu.memref_slice %arg2[%dma_wait3A_71, %dma_wait3A_72] : memref<100352x128xf32, #tpu.memory_space<hbm>> -> memref<100352x128xf32, #tpu.memory_space<hbm>>
    tpu.wait_indirect_dma semaphore(%arg10 : memref<!tpu.dma_semaphore, #tpu.memory_space<semaphore_mem>>) src(%dma_wait3A_73 : memref<100352x128xf32, #tpu.memory_space<hbm>>) dst(%dma_wait3A_67 : memref<128x128xf32, #tpu.memory_space<vmem>>)
    %dma_wait3A_74 = arith.constant 1 : i32
    %dma_wait3A_75 = arith.constant 128 : i32
    %dma_wait3A_76 = arith.constant 0 : i32
    %dma_wait3A_77 = tpu.memref_slice %arg9[%dma_wait3A_75, %dma_wait3A_76] : memref<512x128xf32, #tpu.memory_space<vmem>> -> memref<128x128xf32, #tpu.memory_space<vmem>>
    %dma_wait3A_78 = arith.constant 0 : i32
    %dma_wait3A_79 = tpu.memref_slice %arg7[%dma_wait3A_74, %dma_wait3A_78] : memref<4x128xi32, #tpu.memory_space<vmem>> -> memref<1x128xi32, #tpu.memory_space<vmem>>
    %dma_wait3A_80 = tpu.memref_squeeze %dma_wait3A_79 : memref<1x128xi32, #tpu.memory_space<vmem>> -> memref<128xi32, #tpu.memory_space<vmem>>
    %dma_wait3A_81 = arith.constant 0 : i32
    %dma_wait3A_82 = arith.constant 0 : i32
    %dma_wait3A_83 = tpu.memref_slice %arg2[%dma_wait3A_81, %dma_wait3A_82] : memref<100352x128xf32, #tpu.memory_space<hbm>> -> memref<100352x128xf32, #tpu.memory_space<hbm>>
    tpu.wait_indirect_dma semaphore(%arg10 : memref<!tpu.dma_semaphore, #tpu.memory_space<semaphore_mem>>) src(%dma_wait3A_83 : memref<100352x128xf32, #tpu.memory_space<hbm>>) dst(%dma_wait3A_77 : memref<128x128xf32, #tpu.memory_space<vmem>>)
    %dma_wait3A_84 = arith.constant 2 : i32
    %dma_wait3A_85 = arith.constant 256 : i32
    %dma_wait3A_86 = arith.constant 0 : i32
    %dma_wait3A_87 = tpu.memref_slice %arg9[%dma_wait3A_85, %dma_wait3A_86] : memref<512x128xf32, #tpu.memory_space<vmem>> -> memref<128x128xf32, #tpu.memory_space<vmem>>
    %dma_wait3A_88 = arith.constant 0 : i32
    %dma_wait3A_89 = tpu.memref_slice %arg7[%dma_wait3A_84, %dma_wait3A_88] : memref<4x128xi32, #tpu.memory_space<vmem>> -> memref<1x128xi32, #tpu.memory_space<vmem>>
    %dma_wait3A_90 = tpu.memref_squeeze %dma_wait3A_89 : memref<1x128xi32, #tpu.memory_space<vmem>> -> memref<128xi32, #tpu.memory_space<vmem>>
    %dma_wait3A_91 = arith.constant 0 : i32
    %dma_wait3A_92 = arith.constant 0 : i32
    %dma_wait3A_93 = tpu.memref_slice %arg2[%dma_wait3A_91, %dma_wait3A_92] : memref<100352x128xf32, #tpu.memory_space<hbm>> -> memref<100352x128xf32, #tpu.memory_space<hbm>>
    tpu.wait_indirect_dma semaphore(%arg10 : memref<!tpu.dma_semaphore, #tpu.memory_space<semaphore_mem>>) src(%dma_wait3A_93 : memref<100352x128xf32, #tpu.memory_space<hbm>>) dst(%dma_wait3A_87 : memref<128x128xf32, #tpu.memory_space<vmem>>)
    %dma_wait3A_94 = arith.constant 3 : i32
    %dma_wait3A_95 = arith.constant 384 : i32
    %dma_wait3A_96 = arith.constant 0 : i32
    %dma_wait3A_97 = tpu.memref_slice %arg9[%dma_wait3A_95, %dma_wait3A_96] : memref<512x128xf32, #tpu.memory_space<vmem>> -> memref<128x128xf32, #tpu.memory_space<vmem>>
    %dma_wait3A_98 = arith.constant 0 : i32
    %dma_wait3A_99 = tpu.memref_slice %arg7[%dma_wait3A_94, %dma_wait3A_98] : memref<4x128xi32, #tpu.memory_space<vmem>> -> memref<1x128xi32, #tpu.memory_space<vmem>>
    %dma_wait3A_100 = tpu.memref_squeeze %dma_wait3A_99 : memref<1x128xi32, #tpu.memory_space<vmem>> -> memref<128xi32, #tpu.memory_space<vmem>>
    %dma_wait3A_101 = arith.constant 0 : i32
    %dma_wait3A_102 = arith.constant 0 : i32
    %dma_wait3A_103 = tpu.memref_slice %arg2[%dma_wait3A_101, %dma_wait3A_102] : memref<100352x128xf32, #tpu.memory_space<hbm>> -> memref<100352x128xf32, #tpu.memory_space<hbm>>
    tpu.wait_indirect_dma semaphore(%arg10 : memref<!tpu.dma_semaphore, #tpu.memory_space<semaphore_mem>>) src(%dma_wait3A_103 : memref<100352x128xf32, #tpu.memory_space<hbm>>) dst(%dma_wait3A_97 : memref<128x128xf32, #tpu.memory_space<vmem>>)
    "tpu.region"() ({
      %run_scoped3A_184 = tpu.sem_alloc : memref<!tpu.dma_semaphore, #tpu.memory_space<semaphore_mem>>
      %dma_start3A_185 = arith.constant 0 : i32
      %dma_start3A_186 = tpu.memref_slice %arg5[%mul3A_2, %dma_start3A_185] : memref<16384x128xf32, #tpu.memory_space<hbm>> -> memref<512x128xf32, #tpu.memory_space<hbm>>
      %dma_start3A_187 = arith.constant 0 : i32
      %dma_start3A_188 = tpu.memref_slice %arg5[%mul3A_2, %dma_start3A_187] : memref<16384x128xf32, #tpu.memory_space<hbm>> -> memref<512x128xf32, #tpu.memory_space<hbm>>
      tpu.enqueue_dma source(%arg9 : memref<512x128xf32, #tpu.memory_space<vmem>>) target(%dma_start3A_188 : memref<512x128xf32, #tpu.memory_space<hbm>>) target_semaphore(%run_scoped3A_184 : memref<!tpu.dma_semaphore, #tpu.memory_space<semaphore_mem>>)
      %dma_wait3A_189 = arith.constant 0 : i32
      %dma_wait3A_190 = tpu.memref_slice %arg5[%mul3A_2, %dma_wait3A_189] : memref<16384x128xf32, #tpu.memory_space<hbm>> -> memref<512x128xf32, #tpu.memory_space<hbm>>
      %dma_wait3A_191 = arith.constant 0 : i32
      %dma_wait3A_192 = tpu.memref_slice %arg5[%mul3A_2, %dma_wait3A_191] : memref<16384x128xf32, #tpu.memory_space<hbm>> -> memref<512x128xf32, #tpu.memory_space<hbm>>
      tpu.wait_dma2 semaphore(%run_scoped3A_184 : memref<!tpu.dma_semaphore, #tpu.memory_space<semaphore_mem>>) src(%arg9 : memref<512x128xf32, #tpu.memory_space<vmem>>) dst(%dma_wait3A_192 : memref<512x128xf32, #tpu.memory_space<hbm>>)
      tpu.yield
    }) : () -> ()
    %dma_start3A_104 = arith.constant 0 : i32
    %dma_start3A_105 = arith.constant 0 : i32
    %dma_start3A_106 = arith.constant 0 : i32
    %dma_start3A_107 = tpu.memref_slice %arg9[%dma_start3A_105, %dma_start3A_106] : memref<512x128xf32, #tpu.memory_space<vmem>> -> memref<128x128xf32, #tpu.memory_space<vmem>>
    %dma_start3A_108 = arith.constant 0 : i32
    %dma_start3A_109 = tpu.memref_slice %arg8[%dma_start3A_104, %dma_start3A_108] : memref<4x128xi32, #tpu.memory_space<vmem>> -> memref<1x128xi32, #tpu.memory_space<vmem>>
    %dma_start3A_110 = tpu.memref_squeeze %dma_start3A_109 : memref<1x128xi32, #tpu.memory_space<vmem>> -> memref<128xi32, #tpu.memory_space<vmem>>
    %dma_start3A_111 = arith.constant 0 : i32
    %dma_start3A_112 = arith.constant 0 : i32
    %dma_start3A_113 = tpu.memref_slice %arg2[%dma_start3A_111, %dma_start3A_112] : memref<100352x128xf32, #tpu.memory_space<hbm>> -> memref<100352x128xf32, #tpu.memory_space<hbm>>
    tpu.enqueue_indirect_dma source(%dma_start3A_113 : memref<100352x128xf32, #tpu.memory_space<hbm>>) target(%dma_start3A_107 : memref<128x128xf32, #tpu.memory_space<vmem>>) offsets(%dma_start3A_110 : memref<128xi32, #tpu.memory_space<vmem>>) semaphore(%arg10 : memref<!tpu.dma_semaphore, #tpu.memory_space<semaphore_mem>>)
    %dma_start3A_114 = arith.constant 1 : i32
    %dma_start3A_115 = arith.constant 128 : i32
    %dma_start3A_116 = arith.constant 0 : i32
    %dma_start3A_117 = tpu.memref_slice %arg9[%dma_start3A_115, %dma_start3A_116] : memref<512x128xf32, #tpu.memory_space<vmem>> -> memref<128x128xf32, #tpu.memory_space<vmem>>
    %dma_start3A_118 = arith.constant 0 : i32
    %dma_start3A_119 = tpu.memref_slice %arg8[%dma_start3A_114, %dma_start3A_118] : memref<4x128xi32, #tpu.memory_space<vmem>> -> memref<1x128xi32, #tpu.memory_space<vmem>>
    %dma_start3A_120 = tpu.memref_squeeze %dma_start3A_119 : memref<1x128xi32, #tpu.memory_space<vmem>> -> memref<128xi32, #tpu.memory_space<vmem>>
    %dma_start3A_121 = arith.constant 0 : i32
    %dma_start3A_122 = arith.constant 0 : i32
    %dma_start3A_123 = tpu.memref_slice %arg2[%dma_start3A_121, %dma_start3A_122] : memref<100352x128xf32, #tpu.memory_space<hbm>> -> memref<100352x128xf32, #tpu.memory_space<hbm>>
    tpu.enqueue_indirect_dma source(%dma_start3A_123 : memref<100352x128xf32, #tpu.memory_space<hbm>>) target(%dma_start3A_117 : memref<128x128xf32, #tpu.memory_space<vmem>>) offsets(%dma_start3A_120 : memref<128xi32, #tpu.memory_space<vmem>>) semaphore(%arg10 : memref<!tpu.dma_semaphore, #tpu.memory_space<semaphore_mem>>)
    %dma_start3A_124 = arith.constant 2 : i32
    %dma_start3A_125 = arith.constant 256 : i32
    %dma_start3A_126 = arith.constant 0 : i32
    %dma_start3A_127 = tpu.memref_slice %arg9[%dma_start3A_125, %dma_start3A_126] : memref<512x128xf32, #tpu.memory_space<vmem>> -> memref<128x128xf32, #tpu.memory_space<vmem>>
    %dma_start3A_128 = arith.constant 0 : i32
    %dma_start3A_129 = tpu.memref_slice %arg8[%dma_start3A_124, %dma_start3A_128] : memref<4x128xi32, #tpu.memory_space<vmem>> -> memref<1x128xi32, #tpu.memory_space<vmem>>
    %dma_start3A_130 = tpu.memref_squeeze %dma_start3A_129 : memref<1x128xi32, #tpu.memory_space<vmem>> -> memref<128xi32, #tpu.memory_space<vmem>>
    %dma_start3A_131 = arith.constant 0 : i32
    %dma_start3A_132 = arith.constant 0 : i32
    %dma_start3A_133 = tpu.memref_slice %arg2[%dma_start3A_131, %dma_start3A_132] : memref<100352x128xf32, #tpu.memory_space<hbm>> -> memref<100352x128xf32, #tpu.memory_space<hbm>>
    tpu.enqueue_indirect_dma source(%dma_start3A_133 : memref<100352x128xf32, #tpu.memory_space<hbm>>) target(%dma_start3A_127 : memref<128x128xf32, #tpu.memory_space<vmem>>) offsets(%dma_start3A_130 : memref<128xi32, #tpu.memory_space<vmem>>) semaphore(%arg10 : memref<!tpu.dma_semaphore, #tpu.memory_space<semaphore_mem>>)
    %dma_start3A_134 = arith.constant 3 : i32
    %dma_start3A_135 = arith.constant 384 : i32
    %dma_start3A_136 = arith.constant 0 : i32
    %dma_start3A_137 = tpu.memref_slice %arg9[%dma_start3A_135, %dma_start3A_136] : memref<512x128xf32, #tpu.memory_space<vmem>> -> memref<128x128xf32, #tpu.memory_space<vmem>>
    %dma_start3A_138 = arith.constant 0 : i32
    %dma_start3A_139 = tpu.memref_slice %arg8[%dma_start3A_134, %dma_start3A_138] : memref<4x128xi32, #tpu.memory_space<vmem>> -> memref<1x128xi32, #tpu.memory_space<vmem>>
    %dma_start3A_140 = tpu.memref_squeeze %dma_start3A_139 : memref<1x128xi32, #tpu.memory_space<vmem>> -> memref<128xi32, #tpu.memory_space<vmem>>
    %dma_start3A_141 = arith.constant 0 : i32
    %dma_start3A_142 = arith.constant 0 : i32
    %dma_start3A_143 = tpu.memref_slice %arg2[%dma_start3A_141, %dma_start3A_142] : memref<100352x128xf32, #tpu.memory_space<hbm>> -> memref<100352x128xf32, #tpu.memory_space<hbm>>
    tpu.enqueue_indirect_dma source(%dma_start3A_143 : memref<100352x128xf32, #tpu.memory_space<hbm>>) target(%dma_start3A_137 : memref<128x128xf32, #tpu.memory_space<vmem>>) offsets(%dma_start3A_140 : memref<128xi32, #tpu.memory_space<vmem>>) semaphore(%arg10 : memref<!tpu.dma_semaphore, #tpu.memory_space<semaphore_mem>>)
    %dma_wait3A_144 = arith.constant 0 : i32
    %dma_wait3A_145 = arith.constant 0 : i32
    %dma_wait3A_146 = arith.constant 0 : i32
    %dma_wait3A_147 = tpu.memref_slice %arg9[%dma_wait3A_145, %dma_wait3A_146] : memref<512x128xf32, #tpu.memory_space<vmem>> -> memref<128x128xf32, #tpu.memory_space<vmem>>
    %dma_wait3A_148 = arith.constant 0 : i32
    %dma_wait3A_149 = tpu.memref_slice %arg8[%dma_wait3A_144, %dma_wait3A_148] : memref<4x128xi32, #tpu.memory_space<vmem>> -> memref<1x128xi32, #tpu.memory_space<vmem>>
    %dma_wait3A_150 = tpu.memref_squeeze %dma_wait3A_149 : memref<1x128xi32, #tpu.memory_space<vmem>> -> memref<128xi32, #tpu.memory_space<vmem>>
    %dma_wait3A_151 = arith.constant 0 : i32
    %dma_wait3A_152 = arith.constant 0 : i32
    %dma_wait3A_153 = tpu.memref_slice %arg2[%dma_wait3A_151, %dma_wait3A_152] : memref<100352x128xf32, #tpu.memory_space<hbm>> -> memref<100352x128xf32, #tpu.memory_space<hbm>>
    tpu.wait_indirect_dma semaphore(%arg10 : memref<!tpu.dma_semaphore, #tpu.memory_space<semaphore_mem>>) src(%dma_wait3A_153 : memref<100352x128xf32, #tpu.memory_space<hbm>>) dst(%dma_wait3A_147 : memref<128x128xf32, #tpu.memory_space<vmem>>)
    %dma_wait3A_154 = arith.constant 1 : i32
    %dma_wait3A_155 = arith.constant 128 : i32
    %dma_wait3A_156 = arith.constant 0 : i32
    %dma_wait3A_157 = tpu.memref_slice %arg9[%dma_wait3A_155, %dma_wait3A_156] : memref<512x128xf32, #tpu.memory_space<vmem>> -> memref<128x128xf32, #tpu.memory_space<vmem>>
    %dma_wait3A_158 = arith.constant 0 : i32
    %dma_wait3A_159 = tpu.memref_slice %arg8[%dma_wait3A_154, %dma_wait3A_158] : memref<4x128xi32, #tpu.memory_space<vmem>> -> memref<1x128xi32, #tpu.memory_space<vmem>>
    %dma_wait3A_160 = tpu.memref_squeeze %dma_wait3A_159 : memref<1x128xi32, #tpu.memory_space<vmem>> -> memref<128xi32, #tpu.memory_space<vmem>>
    %dma_wait3A_161 = arith.constant 0 : i32
    %dma_wait3A_162 = arith.constant 0 : i32
    %dma_wait3A_163 = tpu.memref_slice %arg2[%dma_wait3A_161, %dma_wait3A_162] : memref<100352x128xf32, #tpu.memory_space<hbm>> -> memref<100352x128xf32, #tpu.memory_space<hbm>>
    tpu.wait_indirect_dma semaphore(%arg10 : memref<!tpu.dma_semaphore, #tpu.memory_space<semaphore_mem>>) src(%dma_wait3A_163 : memref<100352x128xf32, #tpu.memory_space<hbm>>) dst(%dma_wait3A_157 : memref<128x128xf32, #tpu.memory_space<vmem>>)
    %dma_wait3A_164 = arith.constant 2 : i32
    %dma_wait3A_165 = arith.constant 256 : i32
    %dma_wait3A_166 = arith.constant 0 : i32
    %dma_wait3A_167 = tpu.memref_slice %arg9[%dma_wait3A_165, %dma_wait3A_166] : memref<512x128xf32, #tpu.memory_space<vmem>> -> memref<128x128xf32, #tpu.memory_space<vmem>>
    %dma_wait3A_168 = arith.constant 0 : i32
    %dma_wait3A_169 = tpu.memref_slice %arg8[%dma_wait3A_164, %dma_wait3A_168] : memref<4x128xi32, #tpu.memory_space<vmem>> -> memref<1x128xi32, #tpu.memory_space<vmem>>
    %dma_wait3A_170 = tpu.memref_squeeze %dma_wait3A_169 : memref<1x128xi32, #tpu.memory_space<vmem>> -> memref<128xi32, #tpu.memory_space<vmem>>
    %dma_wait3A_171 = arith.constant 0 : i32
    %dma_wait3A_172 = arith.constant 0 : i32
    %dma_wait3A_173 = tpu.memref_slice %arg2[%dma_wait3A_171, %dma_wait3A_172] : memref<100352x128xf32, #tpu.memory_space<hbm>> -> memref<100352x128xf32, #tpu.memory_space<hbm>>
    tpu.wait_indirect_dma semaphore(%arg10 : memref<!tpu.dma_semaphore, #tpu.memory_space<semaphore_mem>>) src(%dma_wait3A_173 : memref<100352x128xf32, #tpu.memory_space<hbm>>) dst(%dma_wait3A_167 : memref<128x128xf32, #tpu.memory_space<vmem>>)
    %dma_wait3A_174 = arith.constant 3 : i32
    %dma_wait3A_175 = arith.constant 384 : i32
    %dma_wait3A_176 = arith.constant 0 : i32
    %dma_wait3A_177 = tpu.memref_slice %arg9[%dma_wait3A_175, %dma_wait3A_176] : memref<512x128xf32, #tpu.memory_space<vmem>> -> memref<128x128xf32, #tpu.memory_space<vmem>>
    %dma_wait3A_178 = arith.constant 0 : i32
    %dma_wait3A_179 = tpu.memref_slice %arg8[%dma_wait3A_174, %dma_wait3A_178] : memref<4x128xi32, #tpu.memory_space<vmem>> -> memref<1x128xi32, #tpu.memory_space<vmem>>
    %dma_wait3A_180 = tpu.memref_squeeze %dma_wait3A_179 : memref<1x128xi32, #tpu.memory_space<vmem>> -> memref<128xi32, #tpu.memory_space<vmem>>
    %dma_wait3A_181 = arith.constant 0 : i32
    %dma_wait3A_182 = arith.constant 0 : i32
    %dma_wait3A_183 = tpu.memref_slice %arg2[%dma_wait3A_181, %dma_wait3A_182] : memref<100352x128xf32, #tpu.memory_space<hbm>> -> memref<100352x128xf32, #tpu.memory_space<hbm>>
    tpu.wait_indirect_dma semaphore(%arg10 : memref<!tpu.dma_semaphore, #tpu.memory_space<semaphore_mem>>) src(%dma_wait3A_183 : memref<100352x128xf32, #tpu.memory_space<hbm>>) dst(%dma_wait3A_177 : memref<128x128xf32, #tpu.memory_space<vmem>>)
    "tpu.region"() ({
      %run_scoped3A_184 = tpu.sem_alloc : memref<!tpu.dma_semaphore, #tpu.memory_space<semaphore_mem>>
      %dma_start3A_185 = arith.constant 0 : i32
      %dma_start3A_186 = tpu.memref_slice %arg6[%mul3A_2, %dma_start3A_185] : memref<16384x128xf32, #tpu.memory_space<hbm>> -> memref<512x128xf32, #tpu.memory_space<hbm>>
      %dma_start3A_187 = arith.constant 0 : i32
      %dma_start3A_188 = tpu.memref_slice %arg6[%mul3A_2, %dma_start3A_187] : memref<16384x128xf32, #tpu.memory_space<hbm>> -> memref<512x128xf32, #tpu.memory_space<hbm>>
      tpu.enqueue_dma source(%arg9 : memref<512x128xf32, #tpu.memory_space<vmem>>) target(%dma_start3A_188 : memref<512x128xf32, #tpu.memory_space<hbm>>) target_semaphore(%run_scoped3A_184 : memref<!tpu.dma_semaphore, #tpu.memory_space<semaphore_mem>>)
      %dma_wait3A_189 = arith.constant 0 : i32
      %dma_wait3A_190 = tpu.memref_slice %arg6[%mul3A_2, %dma_wait3A_189] : memref<16384x128xf32, #tpu.memory_space<hbm>> -> memref<512x128xf32, #tpu.memory_space<hbm>>
      %dma_wait3A_191 = arith.constant 0 : i32
      %dma_wait3A_192 = tpu.memref_slice %arg6[%mul3A_2, %dma_wait3A_191] : memref<16384x128xf32, #tpu.memory_space<hbm>> -> memref<512x128xf32, #tpu.memory_space<hbm>>
      tpu.wait_dma2 semaphore(%run_scoped3A_184 : memref<!tpu.dma_semaphore, #tpu.memory_space<semaphore_mem>>) src(%arg9 : memref<512x128xf32, #tpu.memory_space<vmem>>) dst(%dma_wait3A_192 : memref<512x128xf32, #tpu.memory_space<hbm>>)
      tpu.yield
    }) : () -> ()
    return
  }
}

module attributes {stable_mosaic.version = 14 : i64} {
  func.func @_tr_body(%arg0: i32, %arg1: memref<64x12544xf32, #tpu.memory_space<vmem>>, %arg2: memref<64x12544xf32, #tpu.memory_space<vmem>>, %arg3: memref<12544x128xf32, #tpu.memory_space<vmem>>) attributes {dimension_semantics = [#tpu.dimension_semantics<arbitrary>], iteration_bounds = array<i64: 8>, scalar_prefetch = 0 : i64, scratch_operands = 0 : i64, tpu.core_type = #tpu.core_type<tc>, window_params = [{transform_indices = @transform_0, window_bounds = array<i64: 64, 12544>}, {transform_indices = @transform_1, window_bounds = array<i64: 64, 12544>}, {transform_indices = @transform_2, window_bounds = array<i64: 12544, 128>}]} {
    %get3A = arith.constant 0 : index
    %get3A_0 = arith.constant 0 : index
    %get3A_1 = vector.load %arg1[%get3A, %get3A_0] : memref<64x12544xf32, #tpu.memory_space<vmem>>, vector<64x12544xf32>
    %transpose3A = tpu.transpose %get3A_1, [1, 0] : vector<64x12544xf32> -> vector<12544x64xf32>
    %swap3A = arith.constant 0 : index
    %swap3A_2 = arith.constant 0 : index
    %swap3A_3 = vector.load %arg3[%swap3A, %swap3A_2] : memref<12544x128xf32, #tpu.memory_space<vmem>>, vector<12544x64xf32>
    tpu.vector_store %arg3[%swap3A, %swap3A_2], %transpose3A {strides = array<i32>} : memref<12544x128xf32, #tpu.memory_space<vmem>>, vector<12544x64xf32>,
    %get3A_4 = arith.constant 0 : index
    %get3A_5 = arith.constant 0 : index
    %get3A_6 = vector.load %arg2[%get3A_4, %get3A_5] : memref<64x12544xf32, #tpu.memory_space<vmem>>, vector<64x12544xf32>
    %transpose3A_7 = tpu.transpose %get3A_6, [1, 0] : vector<64x12544xf32> -> vector<12544x64xf32>
    %swap3A_8 = arith.constant 0 : index
    %swap3A_9 = arith.constant 64 : index
    %swap3A_10 = vector.load %arg3[%swap3A_8, %swap3A_9] : memref<12544x128xf32, #tpu.memory_space<vmem>>, vector<12544x64xf32>
    tpu.vector_store %arg3[%swap3A_8, %swap3A_9], %transpose3A_7 {strides = array<i32>} : memref<12544x128xf32, #tpu.memory_space<vmem>>, vector<12544x64xf32>,
    return
  }
  func.func @transform_0(%arg0: i32) -> (i32, i32) {
    %c0_i32 = arith.constant 0 : i32
    %c0_i32_0 = arith.constant 0 : i32
    return %c0_i32, %arg0 : i32, i32
  }
  func.func @transform_1(%arg0: i32) -> (i32, i32) {
    %c0_i32 = arith.constant 0 : i32
    %c0_i32_0 = arith.constant 0 : i32
    return %c0_i32, %arg0 : i32, i32
  }
  func.func @transform_2(%arg0: i32) -> (i32, i32) {
    %c0_i32 = arith.constant 0 : i32
    %c0_i32_0 = arith.constant 0 : i32
    return %arg0, %c0_i32 : i32, i32
  }
}

module attributes {stable_mosaic.version = 14 : i64} {
  func.func @_tc_body(%arg0: i32, %arg1: memref<256x1xf32, #tpu.memory_space<vmem>>, %arg2: memref<256x64xf32, #tpu.memory_space<vmem>>, %arg3: memref<2048x128xf32, #tpu.memory_space<vmem>>, %arg4: memref<2048x128xf32, #tpu.memory_space<vmem>>, %arg5: memref<1x1xf32, #tpu.memory_space<smem>>) attributes {dimension_semantics = [#tpu.dimension_semantics<arbitrary>], iteration_bounds = array<i64: 8>, scalar_prefetch = 0 : i64, scratch_operands = 0 : i64, tpu.core_type = #tpu.core_type<tc>, window_params = [{pipeline_mode = #tpu.pipeline_mode<synchronous>, transform_indices = @transform_0, window_bounds = array<i64: 256, 1>}, {pipeline_mode = #tpu.pipeline_mode<synchronous>, transform_indices = @transform_1, window_bounds = array<i64: 256, 64>}, {transform_indices = @transform_2, window_bounds = array<i64: 2048, 128>}, {transform_indices = @transform_3, window_bounds = array<i64: 2048, 128>}, {transform_indices = @transform_4, window_bounds = array<i64: 1, 1>}]} {
    %get3A = arith.constant 0 : index
    %get3A_0 = arith.constant 0 : index
    %get3A_1 = vector.load %arg1[%get3A, %get3A_0] : memref<256x1xf32, #tpu.memory_space<vmem>>, vector<256x1xf32>
    %gt3A = arith.constant 0.000000e+00 : f32
    %gt3A_2 = vector.broadcast %gt3A : f32 to vector<256x1xf32>
    %gt3A_3 = arith.cmpf ogt, %get3A_1, %gt3A_2 : vector<256x1xf32>
    %max3A = arith.constant 1.000000e-30 : f32
    %max3A_4 = vector.broadcast %max3A : f32 to vector<256x1xf32>
    %max3A_5 = arith.maximumf %get3A_1, %max3A_4 : vector<256x1xf32>
    %log3A = math.log %max3A_5 : vector<256x1xf32>
    %mul3A = arith.constant 7.500000e-01 : f32
    %mul3A_6 = vector.broadcast %mul3A : f32 to vector<256x1xf32>
    %mul3A_7 = arith.mulf %mul3A_6, %log3A : vector<256x1xf32>
    %exp3A = math.exp %mul3A_7 : vector<256x1xf32>
    %jit3A = arith.constant 0.000000e+00 : f32
    %broadcast_in_dim3A = vector.broadcast %jit3A : f32 to vector<256x1xf32>
    %select_n3A = arith.select %gt3A_3, %exp3A, %broadcast_in_dim3A : vector<256x1xi1>, vector<256x1xf32>
    %reduce_sum3A = vector.shape_cast %select_n3A : vector<256x1xf32> to vector<1x256x1xf32>
    %reduce_sum3A_8 = arith.constant dense<0.000000e+00> : vector<1xf32>
    %reduce_sum3A_9 = vector.multi_reduction <add>, %reduce_sum3A, %reduce_sum3A_8 [1, 2] : vector<1x256x1xf32> to vector<1xf32>
    %reduce_sum3A_10 = vector.shape_cast %reduce_sum3A_9 : vector<1xf32> to vector<1x1x1xf32>
    %reduce_sum3A_11 = vector.extract %reduce_sum3A_10[0, 0, 0] : f32 from vector<1x1x1xf32>
    %div3A = vector.broadcast %reduce_sum3A_11 : f32 to vector<256x1xf32>
    %div3A_12 = arith.divf %select_n3A, %div3A : vector<256x1xf32>
    %iota3A = tpu.iota {dimensions = array<i32: 0>} : vector<256x256xi32>
    %iota3A_13 = tpu.iota {dimensions = array<i32: 1>} : vector<256x256xi32>
    %le3A = arith.cmpi sle, %iota3A_13, %iota3A : vector<256x256xi32>
    %convert_element_type3A = arith.extui %le3A : vector<256x256xi1> to vector<256x256xi32>
    %convert_element_type3A_14 = arith.sitofp %convert_element_type3A : vector<256x256xi32> to vector<256x256xf32>
    %dot_general3A = arith.constant dense<0.000000e+00> : vector<256x1xf32>
    %dot_general3A_15 = tpu.matmul %convert_element_type3A_14, %div3A_12, %dot_general3A {dimension_numbers = #tpu.dot_dimension_numbers<[1], [0], [0], [1], [0, 0, 1, 1], [], []>, transpose_lhs_hint = false} : vector<256x256xf32>, vector<256x1xf32>, vector<256x1xf32> -> vector<256x1xf32>
    %iota3A_16 = tpu.iota {dimensions = array<i32: 0>} : vector<256x1xi32>
    %eq3A = arith.constant 255 : i32
    %eq3A_17 = vector.broadcast %eq3A : i32 to vector<256x1xi32>
    %eq3A_18 = arith.cmpi eq, %iota3A_16, %eq3A_17 : vector<256x1xi32>
    %jit3A_19 = arith.constant 2.000000e+00 : f32
    %broadcast_in_dim3A_20 = vector.broadcast %jit3A_19 : f32 to vector<256x1xf32>
    %select_n3A_21 = arith.select %eq3A_18, %broadcast_in_dim3A_20, %dot_general3A_15 : vector<256x1xi1>, vector<256x1xf32>
    %broadcast_in_dim3A_22 = arith.constant 1.000000e+00 : f32
    %broadcast_in_dim3A_23 = vector.broadcast %broadcast_in_dim3A_22 : f32 to vector<1x2048xf32>
    %dot_general3A_24 = arith.constant dense<0.000000e+00> : vector<256x2048xf32>
    %dot_general3A_25 = tpu.matmul %select_n3A_21, %broadcast_in_dim3A_23, %dot_general3A_24 {dimension_numbers = #tpu.dot_dimension_numbers<[1], [0], [0], [1], [0, 0, 1, 1], [], []>, transpose_lhs_hint = false} : vector<256x1xf32>, vector<1x2048xf32>, vector<256x2048xf32> -> vector<256x2048xf32>
    %add3A = arith.constant 388816 : i32
    %add3A_26 = arith.addi %add3A, %arg0 : i32
    "tpu.prng_set_seed_32"(%add3A_26) : (i32) -> ()
    %prng_random_bits3A = "tpu.prng_random_bits"() : () -> vector<16x2048xi32>
    %bitcast3A = tpu.bitcast %prng_random_bits3A : vector<16x2048xi32> -> vector<16x2048xi32>
    %shift_right_logical3A = arith.constant 8 : i32
    %shift_right_logical3A_27 = vector.broadcast %shift_right_logical3A : i32 to vector<16x2048xi32>
    %shift_right_logical3A_28 = arith.shrui %bitcast3A, %shift_right_logical3A_27 : vector<16x2048xi32>
    %convert_element_type3A_29 = arith.sitofp %shift_right_logical3A_28 : vector<16x2048xi32> to vector<16x2048xf32>
    %mul3A_30 = arith.constant 5.96046448E-8 : f32
    %mul3A_31 = vector.broadcast %mul3A_30 : f32 to vector<16x2048xf32>
    %mul3A_32 = arith.mulf %convert_element_type3A_29, %mul3A_31 : vector<16x2048xf32>
    %get3A_33 = arith.constant 0 : index
    %get3A_34 = arith.constant 0 : index
    %get3A_35 = vector.load %arg3[%get3A_33, %get3A_34] : memref<2048x128xf32, #tpu.memory_space<vmem>>, vector<2048x64xf32>
    %get3A_36 = arith.constant 0 : index
    %get3A_37 = arith.constant 64 : index
    %get3A_38 = vector.load %arg4[%get3A_36, %get3A_37] : memref<2048x128xf32, #tpu.memory_space<vmem>>, vector<2048x64xf32>
    %mul3A_39 = arith.mulf %get3A_35, %get3A_38 : vector<2048x64xf32>
    %reduce_sum3A_40 = arith.constant dense<0.000000e+00> : vector<2048xf32>
    %reduce_sum3A_41 = vector.multi_reduction <add>, %mul3A_39, %reduce_sum3A_40 [1] : vector<2048x64xf32> to vector<2048xf32>
    %broadcast_in_dim3A_42 = vector.shape_cast %reduce_sum3A_41 : vector<2048xf32> to vector<2048x1xf32>
    %get3A_43 = arith.constant 0 : index
    %get3A_44 = arith.constant 0 : index
    %get3A_45 = vector.load %arg2[%get3A_43, %get3A_44] : memref<256x64xf32, #tpu.memory_space<vmem>>, vector<256x64xf32>
    %dot_general3A_46 = arith.constant dense<0.000000e+00> : vector<256x2048xf32>
    %dot_general3A_47 = tpu.matmul %get3A_45, %get3A_35, %dot_general3A_46 {dimension_numbers = #tpu.dot_dimension_numbers<[1], [1], [0], [0], [0, 0, 1, 0], [], []>, transpose_lhs_hint = false} : vector<256x64xf32>, vector<2048x64xf32>, vector<256x2048xf32> -> vector<256x2048xf32>
    %jit3A_48 = arith.constant -6.000000e+01 : f32
    %jit3A_49 = arith.constant 6.000000e+01 : f32
    %max3A_50 = vector.broadcast %jit3A_48 : f32 to vector<256x2048xf32>
    %max3A_51 = arith.maximumf %max3A_50, %dot_general3A_47 : vector<256x2048xf32>
    %min3A = vector.broadcast %jit3A_49 : f32 to vector<256x2048xf32>
    %min3A_52 = arith.minimumf %min3A, %max3A_51 : vector<256x2048xf32>
    %exp3A_53 = math.exp %min3A_52 : vector<256x2048xf32>
    %add3A_54 = arith.constant 1.000000e+00 : f32
    %add3A_55 = vector.broadcast %add3A_54 : f32 to vector<256x2048xf32>
    %add3A_56 = arith.addf %add3A_55, %exp3A_53 : vector<256x2048xf32>
    %log3A_57 = math.log %add3A_56 : vector<256x2048xf32>
    %neg3A = arith.constant 0.000000e+00 : f32
    %neg3A_58 = vector.broadcast %neg3A : f32 to vector<256x2048xf32>
    %neg3A_59 = arith.subf %neg3A_58, %log3A_57 : vector<256x2048xf32>
    %neg3A_60 = arith.constant 0.000000e+00 : f32
    %neg3A_61 = vector.broadcast %neg3A_60 : f32 to vector<2048x1xf32>
    %neg3A_62 = arith.subf %neg3A_61, %broadcast_in_dim3A_42 : vector<2048x1xf32>
    %jit3A_63 = arith.constant -6.000000e+01 : f32
    %jit3A_64 = arith.constant 6.000000e+01 : f32
    %max3A_65 = vector.broadcast %jit3A_63 : f32 to vector<2048x1xf32>
    %max3A_66 = arith.maximumf %max3A_65, %neg3A_62 : vector<2048x1xf32>
    %min3A_67 = vector.broadcast %jit3A_64 : f32 to vector<2048x1xf32>
    %min3A_68 = arith.minimumf %min3A_67, %max3A_66 : vector<2048x1xf32>
    %exp3A_69 = math.exp %min3A_68 : vector<2048x1xf32>
    %add3A_70 = arith.constant 1.000000e+00 : f32
    %add3A_71 = vector.broadcast %add3A_70 : f32 to vector<2048x1xf32>
    %add3A_72 = arith.addf %add3A_71, %exp3A_69 : vector<2048x1xf32>
    %log3A_73 = math.log %add3A_72 : vector<2048x1xf32>
    %neg3A_74 = arith.constant 0.000000e+00 : f32
    %neg3A_75 = vector.broadcast %neg3A_74 : f32 to vector<2048x1xf32>
    %neg3A_76 = arith.subf %neg3A_75, %log3A_73 : vector<2048x1xf32>
    %iota3A_77 = tpu.iota {dimensions = array<i32: 0>} : vector<256x2048xi32>
    %eq3A_78 = arith.constant 255 : i32
    %eq3A_79 = vector.broadcast %eq3A_78 : i32 to vector<256x2048xi32>
    %eq3A_80 = arith.cmpi eq, %iota3A_77, %eq3A_79 : vector<256x2048xi32>
    %slice3A = vector.extract_strided_slice %neg3A_59 {offsets = [1, 0], sizes = [255, 2048], strides = [1, 1]} : vector<256x2048xf32> to vector<255x2048xf32>
    %slice3A_81 = vector.extract_strided_slice %neg3A_59 {offsets = [0, 0], sizes = [1, 2048], strides = [1, 1]} : vector<256x2048xf32> to vector<1x2048xf32>
    %concatenate3A = tpu.concatenate %slice3A, %slice3A_81 in 0 : vector<255x2048xf32>, vector<1x2048xf32> -> vector<256x2048xf32>
    %sub3A = arith.subf %concatenate3A, %neg3A_59 : vector<256x2048xf32>
    %jit3A_82 = arith.constant 0.000000e+00 : f32
    %broadcast_in_dim3A_83 = vector.broadcast %jit3A_82 : f32 to vector<256x2048xf32>
    %select_n3A_84 = arith.select %eq3A_80, %broadcast_in_dim3A_83, %sub3A : vector<256x2048xi1>, vector<256x2048xf32>
    %broadcast_in_dim3A_85 = arith.constant 0.000000e+00 : f32
    %broadcast_in_dim3A_86 = vector.broadcast %broadcast_in_dim3A_85 : f32 to vector<256x2048xf32>
    %slice3A_87 = vector.extract_strided_slice %mul3A_32 {offsets = [0, 0], sizes = [1, 2048], strides = [1, 1]} : vector<16x2048xf32> to vector<1x2048xf32>
    %ge3A = vector.broadcast %slice3A_87 : vector<1x2048xf32> to vector<256x2048xf32>
    %ge3A_88 = arith.cmpf oge, %ge3A, %dot_general3A_25 : vector<256x2048xf32>
    %add3A_89 = arith.addf %broadcast_in_dim3A_86, %select_n3A_84 : vector<256x2048xf32>
    %select_n3A_90 = arith.select %ge3A_88, %add3A_89, %broadcast_in_dim3A_86 : vector<256x2048xi1>, vector<256x2048xf32>
    %slice3A_91 = vector.extract_strided_slice %mul3A_32 {offsets = [1, 0], sizes = [1, 2048], strides = [1, 1]} : vector<16x2048xf32> to vector<1x2048xf32>
    %ge3A_92 = vector.broadcast %slice3A_91 : vector<1x2048xf32> to vector<256x2048xf32>
    %ge3A_93 = arith.cmpf oge, %ge3A_92, %dot_general3A_25 : vector<256x2048xf32>
    %add3A_94 = arith.addf %select_n3A_90, %select_n3A_84 : vector<256x2048xf32>
    %select_n3A_95 = arith.select %ge3A_93, %add3A_94, %select_n3A_90 : vector<256x2048xi1>, vector<256x2048xf32>
    %slice3A_96 = vector.extract_strided_slice %mul3A_32 {offsets = [2, 0], sizes = [1, 2048], strides = [1, 1]} : vector<16x2048xf32> to vector<1x2048xf32>
    %ge3A_97 = vector.broadcast %slice3A_96 : vector<1x2048xf32> to vector<256x2048xf32>
    %ge3A_98 = arith.cmpf oge, %ge3A_97, %dot_general3A_25 : vector<256x2048xf32>
    %add3A_99 = arith.addf %select_n3A_95, %select_n3A_84 : vector<256x2048xf32>
    %select_n3A_100 = arith.select %ge3A_98, %add3A_99, %select_n3A_95 : vector<256x2048xi1>, vector<256x2048xf32>
    %slice3A_101 = vector.extract_strided_slice %mul3A_32 {offsets = [3, 0], sizes = [1, 2048], strides = [1, 1]} : vector<16x2048xf32> to vector<1x2048xf32>
    %ge3A_102 = vector.broadcast %slice3A_101 : vector<1x2048xf32> to vector<256x2048xf32>
    %ge3A_103 = arith.cmpf oge, %ge3A_102, %dot_general3A_25 : vector<256x2048xf32>
    %add3A_104 = arith.addf %select_n3A_100, %select_n3A_84 : vector<256x2048xf32>
    %select_n3A_105 = arith.select %ge3A_103, %add3A_104, %select_n3A_100 : vector<256x2048xi1>, vector<256x2048xf32>
    %slice3A_106 = vector.extract_strided_slice %mul3A_32 {offsets = [4, 0], sizes = [1, 2048], strides = [1, 1]} : vector<16x2048xf32> to vector<1x2048xf32>
    %ge3A_107 = vector.broadcast %slice3A_106 : vector<1x2048xf32> to vector<256x2048xf32>
    %ge3A_108 = arith.cmpf oge, %ge3A_107, %dot_general3A_25 : vector<256x2048xf32>
    %add3A_109 = arith.addf %select_n3A_105, %select_n3A_84 : vector<256x2048xf32>
    %select_n3A_110 = arith.select %ge3A_108, %add3A_109, %select_n3A_105 : vector<256x2048xi1>, vector<256x2048xf32>
    %slice3A_111 = vector.extract_strided_slice %mul3A_32 {offsets = [5, 0], sizes = [1, 2048], strides = [1, 1]} : vector<16x2048xf32> to vector<1x2048xf32>
    %ge3A_112 = vector.broadcast %slice3A_111 : vector<1x2048xf32> to vector<256x2048xf32>
    %ge3A_113 = arith.cmpf oge, %ge3A_112, %dot_general3A_25 : vector<256x2048xf32>
    %add3A_114 = arith.addf %select_n3A_110, %select_n3A_84 : vector<256x2048xf32>
    %select_n3A_115 = arith.select %ge3A_113, %add3A_114, %select_n3A_110 : vector<256x2048xi1>, vector<256x2048xf32>
    %slice3A_116 = vector.extract_strided_slice %mul3A_32 {offsets = [6, 0], sizes = [1, 2048], strides = [1, 1]} : vector<16x2048xf32> to vector<1x2048xf32>
    %ge3A_117 = vector.broadcast %slice3A_116 : vector<1x2048xf32> to vector<256x2048xf32>
    %ge3A_118 = arith.cmpf oge, %ge3A_117, %dot_general3A_25 : vector<256x2048xf32>
    %add3A_119 = arith.addf %select_n3A_115, %select_n3A_84 : vector<256x2048xf32>
    %select_n3A_120 = arith.select %ge3A_118, %add3A_119, %select_n3A_115 : vector<256x2048xi1>, vector<256x2048xf32>
    %slice3A_121 = vector.extract_strided_slice %mul3A_32 {offsets = [7, 0], sizes = [1, 2048], strides = [1, 1]} : vector<16x2048xf32> to vector<1x2048xf32>
    %ge3A_122 = vector.broadcast %slice3A_121 : vector<1x2048xf32> to vector<256x2048xf32>
    %ge3A_123 = arith.cmpf oge, %ge3A_122, %dot_general3A_25 : vector<256x2048xf32>
    %add3A_124 = arith.addf %select_n3A_120, %select_n3A_84 : vector<256x2048xf32>
    %select_n3A_125 = arith.select %ge3A_123, %add3A_124, %select_n3A_120 : vector<256x2048xi1>, vector<256x2048xf32>
    %slice3A_126 = vector.extract_strided_slice %mul3A_32 {offsets = [8, 0], sizes = [1, 2048], strides = [1, 1]} : vector<16x2048xf32> to vector<1x2048xf32>
    %ge3A_127 = vector.broadcast %slice3A_126 : vector<1x2048xf32> to vector<256x2048xf32>
    %ge3A_128 = arith.cmpf oge, %ge3A_127, %dot_general3A_25 : vector<256x2048xf32>
    %add3A_129 = arith.addf %select_n3A_125, %select_n3A_84 : vector<256x2048xf32>
    %select_n3A_130 = arith.select %ge3A_128, %add3A_129, %select_n3A_125 : vector<256x2048xi1>, vector<256x2048xf32>
    %slice3A_131 = vector.extract_strided_slice %mul3A_32 {offsets = [9, 0], sizes = [1, 2048], strides = [1, 1]} : vector<16x2048xf32> to vector<1x2048xf32>
    %ge3A_132 = vector.broadcast %slice3A_131 : vector<1x2048xf32> to vector<256x2048xf32>
    %ge3A_133 = arith.cmpf oge, %ge3A_132, %dot_general3A_25 : vector<256x2048xf32>
    %add3A_134 = arith.addf %select_n3A_130, %select_n3A_84 : vector<256x2048xf32>
    %select_n3A_135 = arith.select %ge3A_133, %add3A_134, %select_n3A_130 : vector<256x2048xi1>, vector<256x2048xf32>
    %reduce_sum3A_136 = vector.shape_cast %neg3A_76 : vector<2048x1xf32> to vector<1x2048x1xf32>
    %reduce_sum3A_137 = arith.constant dense<0.000000e+00> : vector<1xf32>
    %reduce_sum3A_138 = vector.multi_reduction <add>, %reduce_sum3A_136, %reduce_sum3A_137 [1, 2] : vector<1x2048x1xf32> to vector<1xf32>
    %reduce_sum3A_139 = vector.shape_cast %reduce_sum3A_138 : vector<1xf32> to vector<1x1x1xf32>
    %reduce_sum3A_140 = vector.extract %reduce_sum3A_139[0, 0, 0] : f32 from vector<1x1x1xf32>
    %reduce_sum3A_141 = vector.shape_cast %select_n3A_135 : vector<256x2048xf32> to vector<1x256x2048xf32>
    %reduce_sum3A_142 = arith.constant dense<0.000000e+00> : vector<1xf32>
    %reduce_sum3A_143 = vector.multi_reduction <add>, %reduce_sum3A_141, %reduce_sum3A_142 [1, 2] : vector<1x256x2048xf32> to vector<1xf32>
    %reduce_sum3A_144 = vector.shape_cast %reduce_sum3A_143 : vector<1xf32> to vector<1x1x1xf32>
    %reduce_sum3A_145 = vector.extract %reduce_sum3A_144[0, 0, 0] : f32 from vector<1x1x1xf32>
    %add3A_146 = arith.addf %reduce_sum3A_140, %reduce_sum3A_145 : f32
    %slice3A_147 = vector.extract_strided_slice %neg3A_59 {offsets = [0, 0], sizes = [1, 2048], strides = [1, 1]} : vector<256x2048xf32> to vector<1x2048xf32>
    %reduce_sum3A_148 = vector.shape_cast %slice3A_147 : vector<1x2048xf32> to vector<1x1x2048xf32>
    %reduce_sum3A_149 = arith.constant dense<0.000000e+00> : vector<1xf32>
    %reduce_sum3A_150 = vector.multi_reduction <add>, %reduce_sum3A_148, %reduce_sum3A_149 [1, 2] : vector<1x1x2048xf32> to vector<1xf32>
    %reduce_sum3A_151 = vector.shape_cast %reduce_sum3A_150 : vector<1xf32> to vector<1x1x1xf32>
    %reduce_sum3A_152 = vector.extract %reduce_sum3A_151[0, 0, 0] : f32 from vector<1x1x1xf32>
    %mul3A_153 = arith.constant 1.000000e+01 : f32
    %mul3A_154 = arith.mulf %mul3A_153, %reduce_sum3A_152 : f32
    %add3A_155 = arith.addf %add3A_146, %mul3A_154 : f32
    %eq3A_156 = arith.constant 0 : i32
    %eq3A_157 = arith.cmpi eq, %arg0, %eq3A_156 : i32
    %convert_element_type3A_158 = arith.extui %eq3A_157 : i1 to i32
    %cond3A = arith.constant 0 : i32
    %cond3A_159 = arith.cmpi ne, %convert_element_type3A_158, %cond3A : i32
    scf.if %cond3A_159 {
      %swap3A_166 = arith.constant 0.000000e+00 : f32
      %swap3A_167 = arith.constant 0 : index
      %swap3A_168 = arith.constant 0 : index
      %swap3A_169 = memref.load %arg5[%swap3A_167, %swap3A_168] : memref<1x1xf32, #tpu.memory_space<smem>>
      memref.store %swap3A_166, %arg5[%swap3A_167, %swap3A_168] : memref<1x1xf32, #tpu.memory_space<smem>>
    } else {
    }
    %get3A_160 = arith.constant 0 : index
    %get3A_161 = arith.constant 0 : index
    %get3A_162 = memref.load %arg5[%get3A_160, %get3A_161] : memref<1x1xf32, #tpu.memory_space<smem>>
    %add3A_163 = arith.addf %get3A_162, %add3A_155 : f32
    %swap3A = arith.constant 0 : index
    %swap3A_164 = arith.constant 0 : index
    %swap3A_165 = memref.load %arg5[%swap3A, %swap3A_164] : memref<1x1xf32, #tpu.memory_space<smem>>
    memref.store %add3A_163, %arg5[%swap3A, %swap3A_164] : memref<1x1xf32, #tpu.memory_space<smem>>
    return
  }
  func.func @transform_0(%arg0: i32) -> (i32, i32) {
    %c0_i32 = arith.constant 0 : i32
    %c0_i32_0 = arith.constant 0 : i32
    %c0_i32_1 = arith.constant 0 : i32
    return %c0_i32, %c0_i32_0 : i32, i32
  }
  func.func @transform_1(%arg0: i32) -> (i32, i32) {
    %c0_i32 = arith.constant 0 : i32
    %c0_i32_0 = arith.constant 0 : i32
    %c0_i32_1 = arith.constant 0 : i32
    return %c0_i32, %c0_i32_0 : i32, i32
  }
  func.func @transform_2(%arg0: i32) -> (i32, i32) {
    %c0_i32 = arith.constant 0 : i32
    %c0_i32_0 = arith.constant 0 : i32
    return %arg0, %c0_i32 : i32, i32
  }
  func.func @transform_3(%arg0: i32) -> (i32, i32) {
    %c0_i32 = arith.constant 0 : i32
    %c0_i32_0 = arith.constant 0 : i32
    return %arg0, %c0_i32 : i32, i32
  }
  func.func @transform_4(%arg0: i32) -> (i32, i32) {
    %c0_i32 = arith.constant 0 : i32
    %c0_i32_0 = arith.constant 0 : i32
    %c0_i32_1 = arith.constant 0 : i32
    return %c0_i32, %c0_i32_0 : i32, i32
  }
}

</mosaic_0001>

<sc_bundles>
// kernel: kernel.5.cloned.1.call-start
scs
__scs_entry_jumppad:
0x0: {  	(pc) =	sbr.rel $0x88, $3  }
0x1: {  	(tag) =	ssettag $0x0;
	lr =	simm.s32 $0x1  }
0x2: {  	[smem:$0x3F9C] =	sst lr;
	_ =	strace $0xD0000000  }
0x3: {  	_ = 	snop  }
0x4: {  	_ = 	snop  }
0x5: {  	_ = 	snop  }
0x6: {  	_ = 	snop  }
0x7: {  	_ = 	snop  }
__scs_overlays_trampoline_lowered:
0x8: {  	[smem:$0x3FAB] =	sst s0  }
0x9: {  	[smem:$0x3FAC] =	sst s1  }
0xa: {  	[smem:$0x3FAD] =	sst s2  }
0xb: {  	[smem:$0x3FAE] =	sst s3  }
0xc: {  	[smem:$0x3FAF] =	sst s4  }
0xd: {  	[smem:$0x3FB0] =	sst s5  }
0xe: {  	[smem:$0x3FB1] =	sst s6  }
0xf: {  	[smem:$0x3FB2] =	sst s7  }
0x10: {  	[smem:$0x3FB3] =	sst s8  }
0x11: {  	[smem:$0x3FB4] =	sst s9;
	s0 =	simm.s32 @!p0 $0x0  }
0x12: {  	s1 =	sld [smem:$0x3F9A];
	s0 =	simm.s32 @p0 $0x1  }
0x13: {  	[smem:$0x3FB5] =	sst s0;
	s0 =	simm.s32 @!p1 $0x0  }
0x14: {  	s2 =	sld [smem:$0x3F99];
	s0 =	simm.s32 @p1 $0x1  }
0x15: {  	[smem:$0x3FB6] =	sst s0;
	s0 =	simm.s32 @!p2 $0x0  }
0x16: {  	s3 =	sld [smem:$0x3FDB];
	s0 =	simm.s32 @p2 $0x1  }
0x17: {  	s4 =	simm.s32 $0x1BF5;
	[smem:$0x3FB8] =	sst s0  }
0x18: {  	s0 =	sld [smem:$0x3F9B];
	_ =	swait.ge [sflag:s4], $0x0  }
0x19: {  	s7 =	sld [smem:$0x3F9C]  }
0x1a: {  	s8 =	sadd.s32 $0xFFFFE003, lr  }
0x1b: {  	s9 =	sadd.s32 $0xFFFFFEF7, lr;
	s5 =	simm.s32 $0xFFFFFFFF;
	p2 =	slt.u32 s8, $0xFFFFF086  }
0x1c: {  	p1 =	slt.u32 s9, $0xF7A;
	s5 =	simm.s32 @!p2 $0x0  }
0x1d: {  	s5 =	simm.s32 @p1 $0x1;
	p0 =	seq.s32 s7, s2  }
0x1e: {  	s7 =	smul.u32 @!p0 $0xF7A, s2;
	p2 =	seq.s32 @!p0 s5, $0x0  }
0x1f: {  	s9 =	smul.u32 $0xF7A, s1;
	s8 =	simm.s32 @!p0 $0x1BF5;
	p2 =	por !p2, p0  }
0x20: {  	[sflag:s8] =	ssyncset.s32 @!p0 $0xFFFFF086;
	s6 =	sadd.s32 @!p0 s3, s7;
	s7 =	simm.s32 @!p0 $0x108  }
0x21: {  	s3 =	sadd.s32 s3, s9;
	s6 =	sadd.s32 @!p0 $0x88, s6;
	s7 =	simm.s32 @p2 $0x1082  }
0x22: {  	[simem:s7], [sflag:s8] =	dma.local @!p0 [hbm:s6], $0xF7A  }
0x23: {  	s9 =	sor.u32 $0xD0000000, s2;
	s6 =	simm.s32 $0x108;
	_ =	swait.ge @!p0 [sflag:s8], $0x0  }
0x24: {  	s3 =	sadd.s32 $0x88, s3;
	s6 =	simm.s32 @!p1 $0x1082;
	[sflag:s4] =	ssyncset.s32 $0xFFFFF086  }
0x25: {  	[simem:s6], [sflag:s4] =	dma.local [hbm:s3], $0xF7A  }
0x26: {  	[smem:$0x3F9C] =	sst s1;
	(tag) =	ssettag s2;
	_ =	strace s9  }
0x27: {  	s1 =	sld [smem:$0x3FAC]  }
0x28: {  	s2 =	sld [smem:$0x3FAD]  }
0x29: {  	s4 =	sld [smem:$0x3FAF]  }
0x2a: {  	p0 =	seq.s32 s5, $0x0;
	s5 =	sld [smem:$0x3FB0]  }
0x2b: {  	s6 =	sld [smem:$0x3FB1]  }
0x2c: {  	s7 =	sld [smem:$0x3FB2]  }
0x2d: {  	s3 =	simm.s32 $0x108;
	s8 =	sld [smem:$0x3FB3]  }
0x2e: {  	s3 =	simm.s32 @!p0 $0x1082;
	s9 =	sld [smem:$0x3FB4]  }
0x2f: {  	lr =	sadd.s32 s0, s3;
	s0 =	sld [smem:$0x3FAB]  }
0x30: {  	s3 =	sld [smem:$0x3FAE]  }
0x31: {  	[smem:$0x3FB7] =	sst s10  }
0x32: {  	s10 =	sld [smem:$0x3FB5];
	_ =	sdelay $0x3  }
0x33: {  	p0 =	seq.s32 s10, $0x1;
	s10 =	sld [smem:$0x3FB7];
	_ =	sdelay $0x3  }
0x34: {  	[smem:$0x3FB7] =	sst s10  }
0x35: {  	s10 =	sld [smem:$0x3FB6];
	_ =	sdelay $0x3  }
0x36: {  	p1 =	seq.s32 s10, $0x1;
	s10 =	sld [smem:$0x3FB7];
	_ =	sdelay $0x3  }
0x37: {  	[smem:$0x3FB7] =	sst s10  }
0x38: {  	s10 =	sld [smem:$0x3FB8]  }
0x39: {  	_ = 	snop;
	(pc) =	sbr.ind lr, $3  }
0x3a: {  	_ = 	snop  }
0x3b: {  	_ = 	snop  }
0x3c: {  	p2 =	seq.s32 s10, $0x1;
	s10 =	sld [smem:$0x3FB7]  }
0x3d: {  	_ =	shalt  }
0x3e: {  	_ =	shalt  }
0x3f: {  	_ =	shalt  }
0x40: {  	_ =	shalt  }
0x41: {  	_ =	shalt  }
0x42: {  	_ =	shalt  }
0x43: {  	_ =	shalt  }
0x44: {  	_ =	shalt  }
0x45: {  	_ =	shalt  }
0x46: {  	_ =	shalt  }
0x47: {  	_ =	shalt  }
0x48: {  	_ =	shalt  }
0x49: {  	_ =	shalt  }
0x4a: {  	_ =	shalt  }
0x4b: {  	_ =	shalt  }
0x4c: {  	_ =	shalt  }
0x4d: {  	_ =	shalt  }
0x4e: {  	_ =	shalt  }
0x4f: {  	_ =	shalt  }
0x50: {  	_ =	shalt  }
0x51: {  	_ =	shalt  }
0x52: {  	_ =	shalt  }
0x53: {  	_ =	shalt  }
0x54: {  	_ =	shalt  }
0x55: {  	_ =	shalt  }
0x56: {  	_ =	shalt  }
0x57: {  	_ =	shalt  }
0x58: {  	_ =	shalt  }
0x59: {  	_ =	shalt  }
0x5a: {  	_ =	shalt  }
0x5b: {  	_ =	shalt  }
0x5c: {  	_ =	shalt  }
0x5d: {  	_ =	shalt  }
0x5e: {  	_ =	shalt  }
0x5f: {  	_ =	shalt  }
0x60: {  	_ =	shalt  }
0x61: {  	_ =	shalt  }
0x62: {  	_ =	shalt  }
0x63: {  	_ =	shalt  }
0x64: {  	_ =	shalt  }
0x65: {  	_ =	shalt  }
0x66: {  	_ =	shalt  }
0x67: {  	_ =	shalt  }
0x68: {  	_ =	shalt  }
0x69: {  	_ =	shalt  }
0x6a: {  	_ =	shalt  }
0x6b: {  	_ =	shalt  }
0x6c: {  	_ =	shalt  }
0x6d: {  	_ =	shalt  }
0x6e: {  	_ =	shalt  }
0x6f: {  	_ =	shalt  }
0x70: {  	_ =	shalt  }
0x71: {  	_ =	shalt  }
0x72: {  	_ =	shalt  }
0x73: {  	_ =	shalt  }
0x74: {  	_ =	shalt  }
0x75: {  	_ =	shalt  }
0x76: {  	_ =	shalt  }
0x77: {  	_ =	shalt  }
0x78: {  	_ =	shalt  }
0x79: {  	_ =	shalt  }
0x7a: {  	_ =	shalt  }
0x7b: {  	_ =	shalt  }
0x7c: {  	_ =	shalt  }
0x7d: {  	_ =	shalt  }
0x7e: {  	_ =	shalt  }
0x7f: {  	_ =	shalt  }
0x80: {  	_ =	shalt  }
0x81: {  	_ =	shalt  }
0x82: {  	_ =	shalt  }
0x83: {  	_ =	shalt  }
0x84: {  	_ =	shalt  }
0x85: {  	_ =	shalt  }
0x86: {  	_ =	shalt  }
0x87: {  	_ =	shalt  }
.Lfunc_end0:
.L_simem_size_0:
called_computation_lowered:
.L_overlay_start_0:
0x88: {  	s2 =	sld [smem:$0x3FD9]  }
0x89: {  	s3 =	sld [smem:$0x3FFE];
	_ =	sdelay $0x1  }
0x8a: {  	s1 =	srdreg.scid  }
0x8b: {  	s0 =	sand.u32 $0x1, s1  }
0x8c: {  	s17 =	sshll.u32 s0, $0xA;
	s2 =	sadd.s32 s3, s2  }
0x8d: {  	s2 =	sadd.s32 s2, s17  }
0x8e: {  	[smem:$0x3FC3] =	sst s2  }
0x8f: {  	_ = 	snop  }
0x90: {  	s2 =	sld [smem:$0x3FC9]  }
0x91: {  	s18 =	sld [smem:$0x3FC8];
	(tm) =	ssettm $0x1  }
0x92: {  	s4 =	sld [smem:$0x3FFB];
	_ =	sdelay $0x3  }
0x93: {  	_ =	strace s4  }
0x94: {  	s4 =	sld [smem:$0x3FFC];
	_ =	sdelay $0x3  }
0x95: {  	_ =	strace s4  }
0x96: {  	s4 =	sld [smem:$0x3FFD];
	_ =	sdelay $0x3  }
0x97: {  	_ =	strace s4  }
0x98: {  	_ =	strace $0x8FFFFFFF  }
0x99: {  	s19 =	sld [smem:$0x3FDB];
	_ =	sdelay $0x1  }
0x9a: {  	s5 =	simm.s32 $_scs_section_size  }
0x9b: {  	s6 =	simm.s32 $_size__tile_overlayer_lowered;
	s7 =	simm.s32 $_tile_overlayer_lowered  }
0x9c: {  	s22 =	simm.s32 $0x1BFF;
	s21 =	sshll.u32 s7, $0x1;
	s4 =	sadd.s32 s5, s19  }
0x9d: {  	s8 =	simm.s32 $0x0;
	s20 =	sshll.u32 s6, $0x1;
	s6 =	sadd.s32 s21, s4  }
0x9e: {  	[timem:s8], [sflag:s22] =	dma.local [hbm:s6], s20  }
0x9f: {  	_ =	swait.ge [sflag:s22], s20  }
0xa0: {  	s5 =	ssub.s32 $0x0, s20;
	[sflag:s22] =	ssyncset.done $0x0  }
0xa1: {  	[sflag:s22] =	ssyncadd.s32 s5;
	_ =	sdelay $0x1  }
0xa2: {  	s23 =	simm.s32 $0x1B8B  }
0xa3: {  	_ =	swait.ge [sflag:s23], $0x1  }
0xa4: {  	[sflag:s23] =	ssyncset.done $0x0  }
0xa5: {  	s25 =	simm.s32 $0x1B8E;
	s24 =	sld [smem:$0x3FFE];
	[sflag:s23] =	ssyncadd.s32 $0xFFFFFFFF  }
0xa6: {  	s26 =	simm.s32 $execute0_lowered;
	[smem:$0x3FD2] =	sst s25  }
0xa7: {  	s6 =	sshll.u32 s26, $0x1;
	_ =	strace $0x80000046;
	[dreg:$0x1] =	wrdreg $0xFFFFFFFF  }
0xa8: {  	s28 =	simm.s32 $_size_execute0_lowered;
	s4 =	sadd.s32 s4, s6;
	[dreg:$0x0] =	wrdreg $0x0  }
0xa9: {  	s6 =	sshll.u32 s28, $0x1;
	[dreg:$0x2] =	wrdreg s4  }
0xaa: {  	[dreg:$0x3] =	wrdreg s6  }
0xab: {  	[dreg:$0x4] =	wrdreg $0xC0  }
0xac: {  	_ =	task [dreg:s8], $0x5FFFF  }
0xad: {  	[dreg:$0x1] =	wrdreg $0xFFFFFFFF  }
0xae: {  	[dreg:$0x0] =	wrdreg $0x60  }
0xaf: {  	[dreg:$0x2] =	wrdreg s24  }
0xb0: {  	[dreg:$0x3] =	wrdreg s2  }
0xb1: {  	[dreg:$0x4] =	wrdreg s18  }
0xb2: {  	[dreg:$0x5] =	wrdreg $0x9  }
0xb3: {  	_ =	task.clear_ibuf [dreg:s8], $0x6FFFF;
	_ =	strace $0x90000046  }
0xb4: {  	s29 =	simm.s32 $0x9;
	_ =	strace $0x80000048  }
0xb5: {  	_ =	swait.ge [sflag:s29], $0x1  }
0xb6: {  	[sflag:s29] =	ssyncadd.s32 $0xFFFFFFFF  }
0xb7: {  	_ =	strace $0x90000048  }
0xb8: {  	_ =	sfence  }
0xb9: {  	s30 =	sld [smem:$0x0];
	_ =	sdelay $0x2  }
0xba: {  	s31 =	sshll.u32 s1, $0xD;
	s1 =	sshrl.u32 s1, $0x2  }
0xbb: {  	s3 =	sand.u32 $0x4000, s31;
	s1 =	sadd.s32 s1, s30  }
0xbc: {  	s0 =	sor.u32 s3, s0;
	s1 =	sshll.u32 s1, $0x11  }
0xbd: {  	s0 =	sor.u32 s1, s0  }
0xbe: {  	s0 =	sadd.s32 $0x8F2B, s0  }
0xbf: {  	[sflag:s0] =	ssyncadd.remote.s32 $0x1  }
0xc0: {  	_ =	sfence.sel $0xFFFF  }
0xc1: {  	[dreg:$0x0] =	wrdreg $0xFFFFFFFF;
	(pc) =	sbr.abs _section_cstart, $3  }
0xc2: {  	[dreg:$0x1] =	wrdreg $0xFFFFFFFF  }
0xc3: {  	_ =	task.clear_ibuf [dreg:s8], $0x2FFFF;
	_ =	strace $0x9FFFFFFF  }
0xc4: {  	(tm) =	ssettm $0x7FFFFFFF  }
0xc5: {  	_ =	shalt  }
tec
execute0_lowered:
.L_overlay_start_1:
0x0: {  	(tag) =	ssettag $0x1  }
0x1: {  	s25 =	rddreg [dreg:$0x0];
	s1 =	srdreg.scid  }
0x2: {  	s15 =	rddreg [dreg:$0x1];
	s0 =	stileid.u32;
	s26 =	sand.u32 $0x1, s1  }
0x3: {  	s17 =	rddreg [dreg:$0x2];
	s3 =	sshll.u32 s0, $0xA;
	s4 =	sshll.u32 s26, $0x9  }
0x4: {  	s2 =	simm.s32 $0x0;
	s1 =	rddreg [dreg:$0x3];
	s28 =	sor.u32 s4, s3  }
0x5: {  	[smem:$0x7FF] =	sst s2;
	s16 =	sshrl.u32 s28, $0x3  }
0x6: {  	_ =	strace $0x80000047;
	s3 =	simm.s32 $0x2;
	s4 =	sadd.s32 s15, s16  }
0x7: {  	[tilespmem:s2], [sflag:$0x2] =	stream.linear.gather [hbm4b:s4+s2], $0x80, $0x38;
	[tilespmem:$0x10400] =	vst v63  }
0x8: {  	_ =	swait.ge [sflag:s3], $0x80  }
0x9: {  	[sflag:s3] =	ssyncset.done $0x0  }
0xa: {  	s6 =	simm.s32 $0x200;
	s5 =	sadd.s32 s17, s16;
	[sflag:s3] =	ssyncadd.s32 $0xFFFFFF80  }
0xb: {  	[tilespmem:s6], [sflag:$0x2] =	stream.linear.gather [hbm4b:s5+s2], $0x80, $0x38;
	[tilespmem:$0x10400] =	vst v63  }
0xc: {  	_ =	swait.ge [sflag:s3], $0x80  }
0xd: {  	s9 =	sor.u32 $0x10, s16;
	[sflag:s3] =	ssyncset.done $0x0  }
0xe: {  	s8 =	simm.s32 $0x80;
	s7 =	sadd.s32 s15, s9;
	[sflag:s3] =	ssyncadd.s32 $0xFFFFFF80  }
0xf: {  	[tilespmem:s8], [sflag:$0x2] =	stream.linear.gather [hbm4b:s7+s2], $0x80, $0x38;
	[tilespmem:$0x10400] =	vst v63  }
0x10: {  	_ =	swait.ge [sflag:s3], $0x80  }
0x11: {  	[sflag:s3] =	ssyncset.done $0x0  }
0x12: {  	s10 =	simm.s32 $0x280;
	s9 =	sadd.s32 s17, s9;
	[sflag:s3] =	ssyncadd.s32 $0xFFFFFF80  }
0x13: {  	[tilespmem:s10], [sflag:$0x2] =	stream.linear.gather [hbm4b:s9+s2], $0x80, $0x38;
	[tilespmem:$0x10400] =	vst v63  }
0x14: {  	_ =	swait.ge [sflag:s3], $0x80  }
0x15: {  	s13 =	sor.u32 $0x20, s16;
	[sflag:s3] =	ssyncset.done $0x0  }
0x16: {  	s12 =	simm.s32 $0x100;
	s11 =	sadd.s32 s15, s13;
	[sflag:s3] =	ssyncadd.s32 $0xFFFFFF80  }
0x17: {  	[tilespmem:s12], [sflag:$0x2] =	stream.linear.gather [hbm4b:s11+s2], $0x80, $0x38;
	[tilespmem:$0x10400] =	vst v63  }
0x18: {  	_ =	swait.ge [sflag:s3], $0x80  }
0x19: {  	[sflag:s3] =	ssyncset.done $0x0  }
0x1a: {  	s14 =	simm.s32 $0x300;
	s13 =	sadd.s32 s17, s13;
	[sflag:s3] =	ssyncadd.s32 $0xFFFFFF80  }
0x1b: {  	[tilespmem:s14], [sflag:$0x2] =	stream.linear.gather [hbm4b:s13+s2], $0x80, $0x38;
	[tilespmem:$0x10400] =	vst v63  }
0x1c: {  	_ =	swait.ge [sflag:s3], $0x80  }
0x1d: {  	s18 =	sor.u32 $0x30, s16;
	[sflag:s3] =	ssyncset.done $0x0  }
0x1e: {  	s16 =	simm.s32 $0x180;
	s15 =	sadd.s32 s15, s18;
	[sflag:s3] =	ssyncadd.s32 $0xFFFFFF80  }
0x1f: {  	[tilespmem:s16], [sflag:$0x2] =	stream.linear.gather [hbm4b:s15+s2], $0x80, $0x38;
	[tilespmem:$0x10400] =	vst v63  }
0x20: {  	_ =	swait.ge [sflag:s3], $0x80  }
0x21: {  	[sflag:s3] =	ssyncset.done $0x0  }
0x22: {  	s17 =	sadd.s32 s17, s18;
	s18 =	simm.s32 $0x380;
	[sflag:s3] =	ssyncadd.s32 $0xFFFFFF80  }
0x23: {  	[tilespmem:s18], [sflag:$0x2] =	stream.linear.gather [hbm4b:s17+s2], $0x80, $0x38;
	[tilespmem:$0x10400] =	vst v63  }
0x24: {  	_ =	swait.ge [sflag:s3], $0x80  }
0x25: {  	[sflag:s3] =	ssyncset.done $0x0  }
0x26: {  	s20 =	simm.s32 $0x400;
	s19 =	sadd.s32 $0xE00, s25;
	[sflag:s3] =	ssyncadd.s32 $0xFFFFFF80  }
0x27: {  	[tilespmem:s20], [sflag:$0x1] =	stream.indirect.gather [hbm4b:s19+s8], $0x80, s2, s8, $0xb8;
	[tilespmem:$0x10400] =	vst v63  }
0x28: {  	s21 =	simm.s32 $0x4400  }
0x29: {  	[tilespmem:s21], [sflag:$0x1] =	stream.indirect.gather [hbm4b:s19+s8], $0x80, s8, s8, $0xb8;
	[tilespmem:$0x10400] =	vst v63  }
0x2a: {  	s22 =	simm.s32 $0x8400  }
0x2b: {  	[tilespmem:s22], [sflag:$0x1] =	stream.indirect.gather [hbm4b:s19+s8], $0x80, s12, s8, $0xb8;
	[tilespmem:$0x10400] =	vst v63  }
0x2c: {  	s23 =	simm.s32 $0xC400;
	s24 =	simm.s32 $0x1  }
0x2d: {  	[tilespmem:s23], [sflag:$0x1] =	stream.indirect.gather [hbm4b:s19+s8], $0x80, s16, s8, $0xb8;
	[tilespmem:$0x10400] =	vst v63  }
0x2e: {  	_ =	swait.ge [sflag:s24], $0x4000  }
0x2f: {  	[sflag:s24] =	ssyncset.done $0x0  }
0x30: {  	[sflag:s24] =	ssyncadd.s32 $0xFFFFC000  }
0x31: {  	_ =	swait.ge [sflag:s24], $0x4000  }
0x32: {  	[sflag:s24] =	ssyncset.done $0x0  }
0x33: {  	[sflag:s24] =	ssyncadd.s32 $0xFFFFC000  }
0x34: {  	_ =	swait.ge [sflag:s24], $0x4000  }
0x35: {  	[sflag:s24] =	ssyncset.done $0x0  }
0x36: {  	[sflag:s24] =	ssyncadd.s32 $0xFFFFC000  }
0x37: {  	s28 =	sshll.u32 s28, $0x4;
	_ =	swait.ge [sflag:s24], $0x4000  }
0x38: {  	s28 =	sadd.s32 s28, s25;
	[sflag:s24] =	ssyncset.done $0x0  }
0x39: {  	s25 =	sadd.s32 $0x188E00, s28;
	[sflag:s24] =	ssyncadd.s32 $0xFFFFC000  }
0x3a: {  	[hbm4b:s25+s2] =	stream.linear.scatter [tilespmem:s20], [sflag:$0x2], $0x10000, $0x38;
	[tilespmem:$0x10400] =	vst v63  }
0x3b: {  	_ =	swait.ge [sflag:s3], $0x10000  }
0x3c: {  	[sflag:s3] =	ssyncset.done $0x0  }
0x3d: {  	[sflag:s3] =	ssyncadd.s32 $0xFFFF0000  }
0x3e: {  	[tilespmem:s20], [sflag:$0x1] =	stream.indirect.gather [hbm4b:s19+s8], $0x80, s6, s8, $0xb8;
	[tilespmem:$0x10400] =	vst v63  }
0x3f: {  	_ = 	snop  }
0x40: {  	[tilespmem:s21], [sflag:$0x1] =	stream.indirect.gather [hbm4b:s19+s8], $0x80, s10, s8, $0xb8;
	[tilespmem:$0x10400] =	vst v63  }
0x41: {  	_ = 	snop  }
0x42: {  	[tilespmem:s22], [sflag:$0x1] =	stream.indirect.gather [hbm4b:s19+s8], $0x80, s14, s8, $0xb8;
	[tilespmem:$0x10400] =	vst v63  }
0x43: {  	_ = 	snop  }
0x44: {  	[tilespmem:s23], [sflag:$0x1] =	stream.indirect.gather [hbm4b:s19+s8], $0x80, s18, s8, $0xb8;
	[tilespmem:$0x10400] =	vst v63  }
0x45: {  	_ =	swait.ge [sflag:s24], $0x4000  }
0x46: {  	[sflag:s24] =	ssyncset.done $0x0  }
0x47: {  	[sflag:s24] =	ssyncadd.s32 $0xFFFFC000  }
0x48: {  	_ =	swait.ge [sflag:s24], $0x4000  }
0x49: {  	[sflag:s24] =	ssyncset.done $0x0  }
0x4a: {  	s26 =	ssub.s32 $0x2, s26;
	[sflag:s24] =	ssyncadd.s32 $0xFFFFC000  }
0x4b: {  	s29 =	sshrl.u32 s26, $0x1;
	_ =	swait.ge [sflag:s24], $0x4000  }
0x4c: {  	s29 =	ssub.s32 s26, s29;
	[sflag:s24] =	ssyncset.done $0x0  }
0x4d: {  	s26 =	sadd.s32 $0x1C8E00, s28;
	s28 =	smax.u32 s29, $0x1;
	[sflag:s24] =	ssyncadd.s32 $0xFFFFC000  }
0x4e: {  	p0 =	sne.s32 s28, $0x1;
	_ =	swait.ge [sflag:s24], $0x4000  }
.Ltmp0:
0x4f: {  	[sflag:s24] =	ssyncset.done $0x0;
	(pc) =	sbr.rel @!p0 .LBB2_2-.Ltmp0, $4  }
0x50: {  	[sflag:s24] =	ssyncadd.s32 $0xFFFFC000  }
0x51: {  	[hbm4b:s26+s2] =	stream.linear.scatter [tilespmem:s20], [sflag:$0x2], $0x10000, $0x38;
	[tilespmem:$0x10400] =	vst v63  }
0x52: {  	_ =	swait.ge [sflag:s3], $0x10000  }
0x53: {  	s28 =	sadd.s32 $0xFFFFFFFF, s28;
	[sflag:s3] =	ssyncset.done $0x0  }
.LBB2_1:
0x54: {  	p0 =	sne.s32 s28, $0x1;
	s28 =	sadd.s32 $0xFFFFFFFF, s28;
	[sflag:s3] =	ssyncadd.s32 $0xFFFF0000  }
0x55: {  	[tilespmem:s2], [sflag:$0x2] =	stream.linear.gather [hbm4b:s4+s2], $0x80, $0x38;
	[tilespmem:$0x10400] =	vst v63  }
0x56: {  	_ =	swait.ge [sflag:s3], $0x80  }
0x57: {  	[sflag:s3] =	ssyncset.done $0x0  }
0x58: {  	[sflag:s3] =	ssyncadd.s32 $0xFFFFFF80  }
0x59: {  	[tilespmem:s6], [sflag:$0x2] =	stream.linear.gather [hbm4b:s5+s2], $0x80, $0x38;
	[tilespmem:$0x10400] =	vst v63  }
0x5a: {  	_ =	swait.ge [sflag:s3], $0x80  }
0x5b: {  	[sflag:s3] =	ssyncset.done $0x0  }
0x5c: {  	[sflag:s3] =	ssyncadd.s32 $0xFFFFFF80  }
0x5d: {  	[tilespmem:s8], [sflag:$0x2] =	stream.linear.gather [hbm4b:s7+s2], $0x80, $0x38;
	[tilespmem:$0x10400] =	vst v63  }
0x5e: {  	_ =	swait.ge [sflag:s3], $0x80  }
0x5f: {  	[sflag:s3] =	ssyncset.done $0x0  }
0x60: {  	[sflag:s3] =	ssyncadd.s32 $0xFFFFFF80  }
0x61: {  	[tilespmem:s10], [sflag:$0x2] =	stream.linear.gather [hbm4b:s9+s2], $0x80, $0x38;
	[tilespmem:$0x10400] =	vst v63  }
0x62: {  	_ =	swait.ge [sflag:s3], $0x80  }
0x63: {  	[sflag:s3] =	ssyncset.done $0x0  }
0x64: {  	[sflag:s3] =	ssyncadd.s32 $0xFFFFFF80  }
0x65: {  	[tilespmem:s12], [sflag:$0x2] =	stream.linear.gather [hbm4b:s11+s2], $0x80, $0x38;
	[tilespmem:$0x10400] =	vst v63  }
0x66: {  	_ =	swait.ge [sflag:s3], $0x80  }
0x67: {  	[sflag:s3] =	ssyncset.done $0x0  }
0x68: {  	[sflag:s3] =	ssyncadd.s32 $0xFFFFFF80  }
0x69: {  	[tilespmem:s14], [sflag:$0x2] =	stream.linear.gather [hbm4b:s13+s2], $0x80, $0x38;
	[tilespmem:$0x10400] =	vst v63  }
0x6a: {  	_ =	swait.ge [sflag:s3], $0x80  }
0x6b: {  	[sflag:s3] =	ssyncset.done $0x0  }
0x6c: {  	[sflag:s3] =	ssyncadd.s32 $0xFFFFFF80  }
0x6d: {  	[tilespmem:s16], [sflag:$0x2] =	stream.linear.gather [hbm4b:s15+s2], $0x80, $0x38;
	[tilespmem:$0x10400] =	vst v63  }
0x6e: {  	_ =	swait.ge [sflag:s3], $0x80  }
0x6f: {  	[sflag:s3] =	ssyncset.done $0x0  }
0x70: {  	[sflag:s3] =	ssyncadd.s32 $0xFFFFFF80  }
0x71: {  	[tilespmem:s18], [sflag:$0x2] =	stream.linear.gather [hbm4b:s17+s2], $0x80, $0x38;
	[tilespmem:$0x10400] =	vst v63  }
0x72: {  	_ =	swait.ge [sflag:s3], $0x80  }
0x73: {  	[sflag:s3] =	ssyncset.done $0x0  }
0x74: {  	[sflag:s3] =	ssyncadd.s32 $0xFFFFFF80  }
0x75: {  	[tilespmem:s20], [sflag:$0x1] =	stream.indirect.gather [hbm4b:s19+s8], $0x80, s2, s8, $0xb8;
	[tilespmem:$0x10400] =	vst v63  }
0x76: {  	_ = 	snop  }
0x77: {  	[tilespmem:s21], [sflag:$0x1] =	stream.indirect.gather [hbm4b:s19+s8], $0x80, s8, s8, $0xb8;
	[tilespmem:$0x10400] =	vst v63  }
0x78: {  	_ = 	snop  }
0x79: {  	[tilespmem:s22], [sflag:$0x1] =	stream.indirect.gather [hbm4b:s19+s8], $0x80, s12, s8, $0xb8;
	[tilespmem:$0x10400] =	vst v63  }
0x7a: {  	_ = 	snop  }
0x7b: {  	[tilespmem:s23], [sflag:$0x1] =	stream.indirect.gather [hbm4b:s19+s8], $0x80, s16, s8, $0xb8;
	[tilespmem:$0x10400] =	vst v63  }
0x7c: {  	_ =	swait.ge [sflag:s24], $0x4000  }
0x7d: {  	[sflag:s24] =	ssyncset.done $0x0  }
0x7e: {  	[sflag:s24] =	ssyncadd.s32 $0xFFFFC000  }
0x7f: {  	_ =	swait.ge [sflag:s24], $0x4000  }
0x80: {  	[sflag:s24] =	ssyncset.done $0x0  }
0x81: {  	[sflag:s24] =	ssyncadd.s32 $0xFFFFC000  }
0x82: {  	_ =	swait.ge [sflag:s24], $0x4000  }
0x83: {  	[sflag:s24] =	ssyncset.done $0x0  }
0x84: {  	[sflag:s24] =	ssyncadd.s32 $0xFFFFC000  }
0x85: {  	_ =	swait.ge [sflag:s24], $0x4000  }
0x86: {  	[sflag:s24] =	ssyncset.done $0x0  }
0x87: {  	[sflag:s24] =	ssyncadd.s32 $0xFFFFC000  }
0x88: {  	[hbm4b:s25+s2] =	stream.linear.scatter [tilespmem:s20], [sflag:$0x2], $0x10000, $0x38;
	[tilespmem:$0x10400] =	vst v63  }
0x89: {  	_ =	swait.ge [sflag:s3], $0x10000  }
0x8a: {  	[sflag:s3] =	ssyncset.done $0x0  }
0x8b: {  	[sflag:s3] =	ssyncadd.s32 $0xFFFF0000  }
0x8c: {  	[tilespmem:s20], [sflag:$0x1] =	stream.indirect.gather [hbm4b:s19+s8], $0x80, s6, s8, $0xb8;
	[tilespmem:$0x10400] =	vst v63  }
0x8d: {  	_ = 	snop  }
0x8e: {  	[tilespmem:s21], [sflag:$0x1] =	stream.indirect.gather [hbm4b:s19+s8], $0x80, s10, s8, $0xb8;
	[tilespmem:$0x10400] =	vst v63  }
0x8f: {  	_ = 	snop  }
0x90: {  	[tilespmem:s22], [sflag:$0x1] =	stream.indirect.gather [hbm4b:s19+s8], $0x80, s14, s8, $0xb8;
	[tilespmem:$0x10400] =	vst v63  }
0x91: {  	_ = 	snop  }
0x92: {  	[tilespmem:s23], [sflag:$0x1] =	stream.indirect.gather [hbm4b:s19+s8], $0x80, s18, s8, $0xb8;
	[tilespmem:$0x10400] =	vst v63  }
0x93: {  	_ =	swait.ge [sflag:s24], $0x4000  }
0x94: {  	[sflag:s24] =	ssyncset.done $0x0  }
0x95: {  	[sflag:s24] =	ssyncadd.s32 $0xFFFFC000  }
0x96: {  	_ =	swait.ge [sflag:s24], $0x4000  }
0x97: {  	[sflag:s24] =	ssyncset.done $0x0  }
0x98: {  	[sflag:s24] =	ssyncadd.s32 $0xFFFFC000  }
0x99: {  	_ =	swait.ge [sflag:s24], $0x4000  }
0x9a: {  	[sflag:s24] =	ssyncset.done $0x0  }
0x9b: {  	[sflag:s24] =	ssyncadd.s32 $0xFFFFC000  }
0x9c: {  	_ =	swait.ge [sflag:s24], $0x4000  }
.Ltmp1:
0x9d: {  	[sflag:s24] =	ssyncset.done $0x0;
	(pc) =	sbr.rel @p0 .LBB2_1-.Ltmp1, $4  }
0x9e: {  	[sflag:s24] =	ssyncadd.s32 $0xFFFFC000  }
0x9f: {  	[hbm4b:s26+s2] =	stream.linear.scatter [tilespmem:s20], [sflag:$0x2], $0x10000, $0x38;
	[tilespmem:$0x10400] =	vst v63  }
0xa0: {  	_ =	swait.ge [sflag:s3], $0x10000  }
0xa1: {  	[sflag:s3] =	ssyncset.done $0x0  }
.LBB2_2:
0xa2: {  	[sflag:s3] =	ssyncadd.s32 $0xFFFF0000  }
0xa3: {  	_ =	sfence.sel $0x180000  }
0xa4: {  	[bflag:$0x0] =	sbarrier.arrive $0xFFFF  }
0xa5: {  	p0 =	sne.s32 s0, $0x0;
	_ =	strace $0x90000047  }
0xa6: {  	s0 =	sadd.s32 @!p0 $0x100000, s1;
	[bflag:$0x2] =	sbarrier.arrive $0xFFFF  }
0xa7: {  	[sflag:s0] =	ssyncadd.tile.s32 @!p0 $0x1;
	_ =	shalt  }
.Lfunc_end2:
_tile_overlayer_lowered:
.L_overlay_start_2:
0xa8: {  	(tag) =	ssettag $0x2  }
0xa9: {  	s0 =	rddreg [dreg:$0x0];
	s2 =	stileid.u32  }
0xaa: {  	s1 =	rddreg [dreg:$0x1];
	p0 =	sne.s32 s2, $0x0  }
0xab: {  	s3 =	rddreg [dreg:$0x2];
	[bflag:$0x3] =	sbarrier.arrive $0xFFFF;
	s2 =	simm.s32 @!p0 $0x1C02  }
0xac: {  	[timem:s3], [sflag:s2] =	dma.local @!p0 [hbm:s0], s1  }
0xad: {  	s0 =	simm.s32 @!p0 $0x2  }
0xae: {  	_ =	swait.ge @!p0 [sflag:s0], s1  }
0xaf: {  	s1 =	ssub.s32 @!p0 $0x0, s1;
	[sflag:s0] =	ssyncset.done @!p0 $0x0  }
0xb0: {  	[sflag:s0] =	ssyncadd.s32 @!p0 s1  }
0xb1: {  	[bflag:$0x3] =	sbarrier.arrive $0xFFFF  }
0xb2: {  	_ =	shalt  }

</sc_bundles>
